<compile_context>
chip_gen: v7x
topology: tpu7x:2x2x1
jax: 0.10.2.dev20260603
libtpu: 0.0.44.dev20260713+nightly
codegen_flags: <defaults>
</compile_context>

<pallas_src>
import functools

import jax
import jax.numpy as jnp
from jax import lax
from jax.experimental import pallas as pl
from jax.experimental.pallas import tpu as pltpu
from jax.experimental.pallas import tpu_sc as plsc

L = 200
K = 64
N = 16
D = 128

NOBS = L * N
NHID = L * N
NCAND = L * K
B = NOBS + NHID + NCAND

NC = 2
NS = 16
NW = NC * NS
BPW = B // NW

CH = 50
S = L // CH
OBS_CH = CH * N
CAND_CH = CH * K


def _sc_gather(table, idx):
    mesh = plsc.VectorSubcoreMesh(core_axis_name="c", subcore_axis_name="s")

    @functools.partial(
        pl.kernel,
        mesh=mesh,
        out_type=jax.ShapeDtypeStruct((B, D), jnp.float32),
        scratch_types=[
            pltpu.VMEM((BPW,), jnp.int32),
            pltpu.VMEM((BPW, D), jnp.float32),
            pltpu.SemaphoreType.DMA,
        ],
    )
    def gather_kernel(table_hbm, idx_hbm, out_hbm, idx_v, rows_v, sem):
        wid = lax.axis_index("s") * NC + lax.axis_index("c")
        base = wid * BPW
        pltpu.sync_copy(idx_hbm.at[pl.ds(base, BPW)], idx_v)
        pltpu.async_copy(table_hbm.at[idx_v], rows_v, sem).wait()
        pltpu.sync_copy(rows_v, out_hbm.at[pl.ds(base, BPW)])

    return gather_kernel(table, idx)


def _tc_body(wel_ref, wtl_ref, wec_ref, wtc_ref, bec_ref, bel_ref,
             btc_ref, btl_ref, obs_ref, hid_ref, cand_ref, out_ref,
             fa_s, fb_s, ma_s, mb_s, mc_s, tp_s, tq_s, ee_s, m_s, mt_s):
    k = pl.program_id(0)

    def taps(v, w_ref):
        z = jnp.zeros((1, 1), jnp.float32)
        left = jnp.concatenate([v[:, 1:], z], axis=1)
        right = jnp.concatenate([z, v[:, :D - 1]], axis=1)
        g0 = w_ref[0] * left + w_ref[1] * v + w_ref[2] * right
        g1 = w_ref[3] * left + w_ref[4] * v + w_ref[5] * right
        return g0, g1

    wl = wel_ref[...]
    tl = wtl_ref[...]
    gE0, gE1 = taps(wl, wec_ref)
    gT0, gT1 = taps(tl, wtc_ref)
    cE = bel_ref[0] + bec_ref[0] * jnp.sum(wl, axis=1, keepdims=True)
    cT = btl_ref[0] + btc_ref[0] * jnp.sum(tl, axis=1, keepdims=True)

    @pl.when(k < S)
    def _chunk():
        f = jnp.mean(obs_ref[...].reshape(CH, N, D), axis=1)
        m = jnp.mean(hid_ref[...].reshape(CH, N, D), axis=1)
        c3 = cand_ref[...].reshape(CH, K, D)
        r = pl.ds(k * CH, CH)
        fa = jnp.sum(f * gE0, axis=1, keepdims=True)
        fa_s[r, :] = fa
        fb_s[r, :] = jnp.sum(f * gE1, axis=1, keepdims=True)
        ma_s[r, :] = jnp.sum(m * gE0, axis=1, keepdims=True)
        mb_s[r, :] = jnp.sum(m * gT0, axis=1, keepdims=True)
        mc_s[r, :] = jnp.sum(m * gT1, axis=1, keepdims=True)
        tp = jnp.sum(c3 * gT0[None], axis=2)
        tq = jnp.sum(c3 * gT1[None], axis=2)
        be = jnp.sum(c3 * gE1[None], axis=2)
        tp_s[r, :] = tp
        tq_s[r, :] = tq
        ee = jnp.exp(jax.nn.sigmoid(cE + fa + be))
        ee_s[r, :] = ee

        cT3 = cT.reshape(1, 1, 1)

        @pl.when(k == 0)
        def _m_first():
            sg = jax.nn.sigmoid(cT3 + tp[0:CH - 1, :, None]
                                + tq[1:CH, None, :])
            mm = jnp.exp(sg) * ee[1:CH][:, None, :]
            m_s[0:CH - 1] = mm
            mt_s[0:CH - 1] = jnp.swapaxes(mm, 1, 2)

        @pl.when(k > 0)
        def _m_rest():
            lo = k * CH - 1
            tpm = tp_s[pl.ds(lo, CH), :]
            tqm = tq_s[pl.ds(k * CH, CH), :]
            eem = ee_s[pl.ds(k * CH, CH), :]
            sg = jax.nn.sigmoid(cT3 + tpm[:, :, None] + tqm[:, None, :])
            mm = jnp.exp(sg) * eem[:, None, :]
            m_s[pl.ds(lo, CH)] = mm
            mt_s[pl.ds(lo, CH)] = jnp.swapaxes(mm, 1, 2)

    @pl.when(k == S - 1)
    def _finale():
        e_terms = jax.nn.sigmoid(cE + ma_s[...] + fb_s[...])
        t_terms = jax.nn.sigmoid(cT + mb_s[1:L, :] + mc_s[0:L - 1, :])
        gold = (jnp.sum(e_terms, axis=0, keepdims=True)
                + jnp.sum(t_terms, axis=0, keepdims=True))

        row = lax.broadcasted_iota(jnp.int32, (K, K), 0)
        col = lax.broadcasted_iota(jnp.int32, (K, K), 1)
        eye = jnp.where(row == col, 1.0, 0.0).astype(jnp.float32)
        m_s[pl.ds(L - 1, 1)] = eye.reshape(1, K, K)
        mt_s[pl.ds(L - 1, 1)] = eye.reshape(1, K, K)

        u0 = ee_s[0:1, :]
        v0 = jnp.ones((1, K), jnp.float32)

        def body(b, carry):
            u, v, lu, lv = carry
            for j in range(10):
                fi = (10 * b + j + L - 1) % L
                bi = L - 1 - 10 * b - j
                if j % 2 == 0:
                    u = jnp.sum(mt_s[pl.ds(fi, 1)].reshape(K, K) * u,
                                axis=1, keepdims=True)
                    v = jnp.sum(m_s[pl.ds(bi, 1)].reshape(K, K) * v,
                                axis=1, keepdims=True)
                else:
                    u = jnp.sum(m_s[pl.ds(fi, 1)].reshape(K, K) * u,
                                axis=0, keepdims=True)
                    v = jnp.sum(mt_s[pl.ds(bi, 1)].reshape(K, K) * v,
                                axis=0, keepdims=True)
            su = jnp.max(u, axis=1, keepdims=True)
            sv = jnp.max(v, axis=1, keepdims=True)
            return u / su, v / sv, lu + jnp.log(su), lv + jnp.log(sv)

        z11 = jnp.zeros((1, 1), jnp.float32)
        u, v, lu, lv = lax.fori_loop(0, L // 20, body, (u0, v0, z11, z11))
        w = jnp.sum(m_s[pl.ds(99, 1)].reshape(K, K) * v,
                    axis=1, keepdims=True)
        tot = jnp.sum(u * w.reshape(1, K), axis=1, keepdims=True)
        fwd = jnp.log(tot) + lu + lv
        out_ref[...] = jnp.broadcast_to(fwd - gold, (1, 128))


def _tc_crf(rows, w_el, w_tl, w_ec6, w_tc6, b_ec, b_el, b_tc, b_tl):
    hid_b0 = NOBS // OBS_CH
    cand_b0 = (NOBS + NHID) // CAND_CH

    smem = pl.BlockSpec(memory_space=pltpu.SMEM)
    return pl.pallas_call(
        _tc_body,
        grid=(S,),
        in_specs=[
            pl.BlockSpec((1, 128), lambda k: (0, 0)),
            pl.BlockSpec((1, 128), lambda k: (0, 0)),
            smem, smem, smem, smem, smem, smem,
            pl.BlockSpec((OBS_CH, D), lambda k: (k, 0)),
            pl.BlockSpec((OBS_CH, D), lambda k: (hid_b0 + k, 0)),
            pl.BlockSpec((CAND_CH, D), lambda k: (cand_b0 + k, 0)),
        ],
        out_specs=pl.BlockSpec((1, 128), lambda k: (0, 0)),
        out_shape=jax.ShapeDtypeStruct((1, 128), jnp.float32),
        scratch_shapes=[
            pltpu.VMEM((L, 1), jnp.float32),
            pltpu.VMEM((L, 1), jnp.float32),
            pltpu.VMEM((L, 1), jnp.float32),
            pltpu.VMEM((L, 1), jnp.float32),
            pltpu.VMEM((L, 1), jnp.float32),
            pltpu.VMEM((L, K), jnp.float32),
            pltpu.VMEM((L, K), jnp.float32),
            pltpu.VMEM((L, K), jnp.float32),
            pltpu.VMEM((L, K, K), jnp.float32),
            pltpu.VMEM((L, K, K), jnp.float32),
        ],
        compiler_params=pltpu.CompilerParams(
            dimension_semantics=("arbitrary",)),
    )(w_el, w_tl, w_ec6, w_tc6, b_ec, b_el, b_tc, b_tl, rows, rows, rows)


def kernel(W_embed, w_ec, b_ec, w_el, b_el, w_tc, b_tc, w_tl, b_tl,
           observed, candidates, hidden_states):
    idx = jnp.concatenate([
        observed.reshape(-1), hidden_states.reshape(-1),
        candidates.reshape(-1)]).astype(jnp.int32)
    rows = _sc_gather(W_embed, idx)
    out = _tc_crf(rows, w_el, w_tl, w_ec.reshape(6), w_tc.reshape(6),
                  b_ec, b_el, b_tc, b_tl)
    return out[0, 0:1]

# --- scband reference (transcript-rebuilt; emitter-appended) ---
"""Pipeline reference for scband-bi-lstm-crf-18098992185950 (READ-ONLY COPY).

The authoritative reference and input builder live on the scoring server;
editing this copy changes nothing except your own understanding.
"""

import jax, jax.numpy as jnp
import numpy as np

V = 100000
D = 128
L = 200
K = 64
N = 16


def _conv1d2(x, w, b):
    # x: [B, 2, D], w: [1, 2, 3], b: [1]  (Conv1d in=2, out=1, k=3, pad=1)
    Dd = x.shape[-1]
    xp = jnp.pad(x, ((0, 0), (0, 0), (1, 1)))
    out = jnp.zeros((x.shape[0], Dd), dtype=x.dtype) + b[0]
    for c in range(2):
        for k in range(3):
            out = out + w[0, c, k] * xp[:, c, k:k + Dd]
    return out


def _E(feat, cands, w_ec, b_ec, w_el, b_el):
    # emit score of each candidate vs frame feature; batched version of BiLSTM_CRF.E
    x = jnp.stack([jnp.broadcast_to(feat, cands.shape), cands], axis=1)  # [K,2,D]
    v = _conv1d2(x, w_ec, b_ec)  # [K,D]
    return jax.nn.sigmoid(v @ w_el[0] + b_el[0])  # [K]


def _T(prev, cur, w_tc, b_tc, w_tl, b_tl):
    # transition score for all (prev, cur) candidate pairs; batched BiLSTM_CRF.T
    Kp, Dd = prev.shape
    Kc = cur.shape[0]
    a = jnp.broadcast_to(prev[:, None, :], (Kp, Kc, Dd))
    bb = jnp.broadcast_to(cur[None, :, :], (Kp, Kc, Dd))
    x = jnp.stack([a, bb], axis=2).reshape(Kp * Kc, 2, Dd)
    v = _conv1d2(x, w_tc, b_tc)
    return jax.nn.sigmoid(v @ w_tl[0] + b_tl[0]).reshape(Kp, Kc)


def setup_inputs(seed: int = 0) -> dict:
    key = jax.random.key(seed)
    ks = jax.random.split(key, 10)
    observed = jax.random.randint(ks[0], (L, N), 0, V)
    candidates = jax.random.randint(ks[1], (L, K), 0, V)
    hidden_states = jax.random.randint(ks[2], (L, N), 0, V)
    W_embed = jax.random.normal(ks[3], (V, D), dtype=jnp.float32) * 0.02
    w_ec = jax.random.normal(ks[4], (1, 2, 3), dtype=jnp.float32) * 0.4
    b_ec = jnp.zeros((1,), dtype=jnp.float32)
    w_el = jax.random.normal(ks[5], (1, D), dtype=jnp.float32) * 0.08
    b_el = jnp.zeros((1,), dtype=jnp.float32)
    w_tc = jax.random.normal(ks[6], (1, 2, 3), dtype=jnp.float32) * 0.4
    b_tc = jnp.zeros((1,), dtype=jnp.float32)
    w_tl = jax.random.normal(ks[7], (1, D), dtype=jnp.float32) * 0.08
    b_tl = jnp.zeros((1,), dtype=jnp.float32)
    return {"W_embed": W_embed, "w_ec": w_ec, "b_ec": b_ec, "w_el": w_el, "b_el": b_el,
            "w_tc": w_tc, "b_tc": b_tc, "w_tl": w_tl, "b_tl": b_tl,
            "observed": observed, "candidates": candidates, "hidden_states": hidden_states}


def reference(W_embed, w_ec, b_ec, w_el, b_el, w_tc, b_tc, w_tl, b_tl,
              observed, candidates, hidden_states):
    # _get_embeded_features: mean of embedding gathers per position (GCN output is
    # computed but unused in the original torch code, so it is dead code here)
    feats = jnp.mean(jnp.take(W_embed, observed, axis=0), axis=1)  # [L, D]
    cand_vecs = jnp.take(W_embed, candidates, axis=0)  # [L, K, D]

    # _forward_alg: CRF-style forward recursion over candidate lattice
    alpha = _E(feats[0], cand_vecs[0], w_ec, b_ec, w_el, b_el)  # [K]

    def step(alpha, xs):
        prev_v, cur_v, feat = xs
        Tm = _T(prev_v, cur_v, w_tc, b_tc, w_tl, b_tl)  # [K, K]
        Em = _E(feat, cur_v, w_ec, b_ec, w_el, b_el)  # [K]
        smat = alpha[:, None] + Tm + Em[None, :]
        vmax = smat.max(axis=0, keepdims=True)
        new = (jnp.log(jnp.sum(jnp.exp(smat - vmax), axis=0, keepdims=True)) + vmax)[0]
        return new, None

    alpha, _ = jax.lax.scan(step, alpha, (cand_vecs[:-1], cand_vecs[1:], feats[1:]))
    vmax = alpha.max()
    forward_score = jnp.log(jnp.sum(jnp.exp(alpha - vmax))) + vmax

    # _score_sentence: gold path score
    merged = jnp.mean(jnp.take(W_embed, hidden_states, axis=0), axis=1)  # [L, D]
    xE = jnp.stack([merged, feats], axis=1)  # E(merged_i, frame_i)
    e_terms = jax.nn.sigmoid(_conv1d2(xE, w_ec, b_ec) @ w_el[0] + b_el[0])
    xT = jnp.stack([merged[1:], merged[:-1]], axis=1)  # T(merged_i, merged_{i-1})
    t_terms = jax.nn.sigmoid(_conv1d2(xT, w_tc, b_tc) @ w_tl[0] + b_tl[0])
    gold_score = jnp.sum(e_terms) + jnp.sum(t_terms)

    # neg_log_likelihood = forward_score - gold_score
    return jnp.reshape(forward_score - gold_score, (1,))

if __name__ == "__main__":
    import jax
    _d = setup_inputs()
    print(jax.jit(kernel)(*tuple(_d.values())))

</pallas_src>

<mosaic_0001>
#map = affine_map<(d0, d1) -> (0, 0)>
#map1 = affine_map<(d0, d1) -> (0)>
module attributes {stable_mosaic.version = 14 : i64} {
  func.func @gather_kernel(%arg0: i32, %arg1: i32, %arg2: memref<100000x128xf32, #tpu.memory_space<hbm>>, %arg3: memref<19200xi32, #tpu.memory_space<hbm>>, %arg4: memref<19200x128xf32, #tpu.memory_space<hbm>>, %arg5: memref<600xi32, #tpu.memory_space<vmem>>, %arg6: memref<600x128xf32, #tpu.memory_space<vmem>>, %arg7: memref<!tpu.dma_semaphore, #tpu.memory_space<semaphore_mem>>) attributes {dimension_semantics = [#tpu.dimension_semantics<core_parallel>, #tpu.dimension_semantics<subcore_parallel>], iteration_bounds = array<i64: 2, 16>, scalar_prefetch = 0 : i64, scratch_operands = 3 : i64, tpu.core_type = #tpu.core_type<sc_vector_subcore>, window_params = [{transform_indices = #map}, {transform_indices = #map1}, {transform_indices = #map}]} {
    %mul3A = arith.constant 2 : i32
    %mul3A_0 = arith.muli %arg1, %mul3A : i32
    %add3A = arith.addi %mul3A_0, %arg0 : i32
    %mul3A_1 = arith.constant 600 : i32
    %mul3A_2 = arith.muli %add3A, %mul3A_1 : i32
    "tpu.region"() ({
      %run_scoped3A = tpu.sem_alloc : memref<!tpu.dma_semaphore, #tpu.memory_space<semaphore_mem>>
      %dma_start3A_7 = tpu.memref_slice %arg3[%mul3A_2] : memref<19200xi32, #tpu.memory_space<hbm>> -> memref<600xi32, #tpu.memory_space<hbm>>
      %dma_start3A_8 = tpu.memref_slice %arg3[%mul3A_2] : memref<19200xi32, #tpu.memory_space<hbm>> -> memref<600xi32, #tpu.memory_space<hbm>>
      tpu.enqueue_dma source(%dma_start3A_8 : memref<600xi32, #tpu.memory_space<hbm>>) target(%arg5 : memref<600xi32, #tpu.memory_space<vmem>>) target_semaphore(%run_scoped3A : memref<!tpu.dma_semaphore, #tpu.memory_space<semaphore_mem>>)
      %dma_wait3A_9 = tpu.memref_slice %arg3[%mul3A_2] : memref<19200xi32, #tpu.memory_space<hbm>> -> memref<600xi32, #tpu.memory_space<hbm>>
      %dma_wait3A_10 = tpu.memref_slice %arg3[%mul3A_2] : memref<19200xi32, #tpu.memory_space<hbm>> -> memref<600xi32, #tpu.memory_space<hbm>>
      tpu.wait_dma2 semaphore(%run_scoped3A : memref<!tpu.dma_semaphore, #tpu.memory_space<semaphore_mem>>) src(%dma_wait3A_10 : memref<600xi32, #tpu.memory_space<hbm>>) dst(%arg5 : memref<600xi32, #tpu.memory_space<vmem>>)
      tpu.yield
    }) : () -> ()
    %dma_start3A = arith.constant 0 : i32
    %dma_start3A_3 = arith.constant 0 : i32
    %dma_start3A_4 = tpu.memref_slice %arg2[%dma_start3A, %dma_start3A_3] : memref<100000x128xf32, #tpu.memory_space<hbm>> -> memref<100000x128xf32, #tpu.memory_space<hbm>>
    tpu.enqueue_indirect_dma source(%dma_start3A_4 : memref<100000x128xf32, #tpu.memory_space<hbm>>) target(%arg6 : memref<600x128xf32, #tpu.memory_space<vmem>>) offsets(%arg5 : memref<600xi32, #tpu.memory_space<vmem>>) semaphore(%arg7 : memref<!tpu.dma_semaphore, #tpu.memory_space<semaphore_mem>>)
    %dma_wait3A = arith.constant 0 : i32
    %dma_wait3A_5 = arith.constant 0 : i32
    %dma_wait3A_6 = tpu.memref_slice %arg2[%dma_wait3A, %dma_wait3A_5] : memref<100000x128xf32, #tpu.memory_space<hbm>> -> memref<100000x128xf32, #tpu.memory_space<hbm>>
    tpu.wait_indirect_dma semaphore(%arg7 : memref<!tpu.dma_semaphore, #tpu.memory_space<semaphore_mem>>) src(%dma_wait3A_6 : memref<100000x128xf32, #tpu.memory_space<hbm>>) dst(%arg6 : memref<600x128xf32, #tpu.memory_space<vmem>>)
    "tpu.region"() ({
      %run_scoped3A = tpu.sem_alloc : memref<!tpu.dma_semaphore, #tpu.memory_space<semaphore_mem>>
      %dma_start3A_7 = arith.constant 0 : i32
      %dma_start3A_8 = tpu.memref_slice %arg4[%mul3A_2, %dma_start3A_7] : memref<19200x128xf32, #tpu.memory_space<hbm>> -> memref<600x128xf32, #tpu.memory_space<hbm>>
      %dma_start3A_9 = arith.constant 0 : i32
      %dma_start3A_10 = tpu.memref_slice %arg4[%mul3A_2, %dma_start3A_9] : memref<19200x128xf32, #tpu.memory_space<hbm>> -> memref<600x128xf32, #tpu.memory_space<hbm>>
      tpu.enqueue_dma source(%arg6 : memref<600x128xf32, #tpu.memory_space<vmem>>) target(%dma_start3A_10 : memref<600x128xf32, #tpu.memory_space<hbm>>) target_semaphore(%run_scoped3A : memref<!tpu.dma_semaphore, #tpu.memory_space<semaphore_mem>>)
      %dma_wait3A_11 = arith.constant 0 : i32
      %dma_wait3A_12 = tpu.memref_slice %arg4[%mul3A_2, %dma_wait3A_11] : memref<19200x128xf32, #tpu.memory_space<hbm>> -> memref<600x128xf32, #tpu.memory_space<hbm>>
      %dma_wait3A_13 = arith.constant 0 : i32
      %dma_wait3A_14 = tpu.memref_slice %arg4[%mul3A_2, %dma_wait3A_13] : memref<19200x128xf32, #tpu.memory_space<hbm>> -> memref<600x128xf32, #tpu.memory_space<hbm>>
      tpu.wait_dma2 semaphore(%run_scoped3A : memref<!tpu.dma_semaphore, #tpu.memory_space<semaphore_mem>>) src(%arg6 : memref<600x128xf32, #tpu.memory_space<vmem>>) dst(%dma_wait3A_14 : memref<600x128xf32, #tpu.memory_space<hbm>>)
      tpu.yield
    }) : () -> ()
    return
  }
}

module attributes {stable_mosaic.version = 14 : i64} {
  func.func @_tc_body(%arg0: i32, %arg1: memref<1x128xf32, #tpu.memory_space<vmem>>, %arg2: memref<1x128xf32, #tpu.memory_space<vmem>>, %arg3: memref<6xf32, #tpu.memory_space<smem>>, %arg4: memref<6xf32, #tpu.memory_space<smem>>, %arg5: memref<1xf32, #tpu.memory_space<smem>>, %arg6: memref<1xf32, #tpu.memory_space<smem>>, %arg7: memref<1xf32, #tpu.memory_space<smem>>, %arg8: memref<1xf32, #tpu.memory_space<smem>>, %arg9: memref<800x128xf32, #tpu.memory_space<vmem>>, %arg10: memref<800x128xf32, #tpu.memory_space<vmem>>, %arg11: memref<3200x128xf32, #tpu.memory_space<vmem>>, %arg12: memref<1x128xf32, #tpu.memory_space<vmem>>, %arg13: memref<200x1xf32, #tpu.memory_space<vmem>>, %arg14: memref<200x1xf32, #tpu.memory_space<vmem>>, %arg15: memref<200x1xf32, #tpu.memory_space<vmem>>, %arg16: memref<200x1xf32, #tpu.memory_space<vmem>>, %arg17: memref<200x1xf32, #tpu.memory_space<vmem>>, %arg18: memref<200x64xf32, #tpu.memory_space<vmem>>, %arg19: memref<200x64xf32, #tpu.memory_space<vmem>>, %arg20: memref<200x64xf32, #tpu.memory_space<vmem>>, %arg21: memref<200x64x64xf32, #tpu.memory_space<vmem>>, %arg22: memref<200x64x64xf32, #tpu.memory_space<vmem>>) attributes {dimension_semantics = [#tpu.dimension_semantics<arbitrary>], iteration_bounds = array<i64: 4>, scalar_prefetch = 0 : i64, scratch_operands = 10 : i64, tpu.core_type = #tpu.core_type<tc>, window_params = [{pipeline_mode = #tpu.pipeline_mode<synchronous>, transform_indices = @transform_0, window_bounds = array<i64: 1, 128>}, {pipeline_mode = #tpu.pipeline_mode<synchronous>, transform_indices = @transform_1, window_bounds = array<i64: 1, 128>}, {transform_indices = @transform_2, window_bounds = array<i64: 6>}, {transform_indices = @transform_3, window_bounds = array<i64: 6>}, {transform_indices = @transform_4, window_bounds = array<i64: 1>}, {transform_indices = @transform_5, window_bounds = array<i64: 1>}, {transform_indices = @transform_6, window_bounds = array<i64: 1>}, {transform_indices = @transform_7, window_bounds = array<i64: 1>}, {transform_indices = @transform_8, window_bounds = array<i64: 800, 128>}, {transform_indices = @transform_9, window_bounds = array<i64: 800, 128>}, {transform_indices = @transform_10, window_bounds = array<i64: 3200, 128>}, {pipeline_mode = #tpu.pipeline_mode<synchronous>, transform_indices = @transform_11, window_bounds = array<i64: 1, 128>}]} {
    %get3A = arith.constant 0 : index
    %get3A_0 = arith.constant 0 : index
    %get3A_1 = vector.load %arg1[%get3A, %get3A_0] : memref<1x128xf32, #tpu.memory_space<vmem>>, vector<1x128xf32>
    %get3A_2 = arith.constant 0 : index
    %get3A_3 = arith.constant 0 : index
    %get3A_4 = vector.load %arg2[%get3A_2, %get3A_3] : memref<1x128xf32, #tpu.memory_space<vmem>>, vector<1x128xf32>
    %broadcast_in_dim3A = arith.constant 0.000000e+00 : f32
    %broadcast_in_dim3A_5 = vector.broadcast %broadcast_in_dim3A : f32 to vector<1x1xf32>
    %slice3A = vector.extract_strided_slice %get3A_1 {offsets = [0, 1], sizes = [1, 127], strides = [1, 1]} : vector<1x128xf32> to vector<1x127xf32>
    %concatenate3A = tpu.concatenate %slice3A, %broadcast_in_dim3A_5 in 1 : vector<1x127xf32>, vector<1x1xf32> -> vector<1x128xf32>
    %slice3A_6 = vector.extract_strided_slice %get3A_1 {offsets = [0, 0], sizes = [1, 127], strides = [1, 1]} : vector<1x128xf32> to vector<1x127xf32>
    %concatenate3A_7 = tpu.concatenate %broadcast_in_dim3A_5, %slice3A_6 in 1 : vector<1x1xf32>, vector<1x127xf32> -> vector<1x128xf32>
    %get3A_8 = arith.constant 0 : index
    %get3A_9 = memref.load %arg3[%get3A_8] : memref<6xf32, #tpu.memory_space<smem>>
    %mul3A = vector.broadcast %get3A_9 : f32 to vector<1x128xf32>
    %mul3A_10 = arith.mulf %mul3A, %concatenate3A : vector<1x128xf32>
    %get3A_11 = arith.constant 1 : index
    %get3A_12 = memref.load %arg3[%get3A_11] : memref<6xf32, #tpu.memory_space<smem>>
    %mul3A_13 = vector.broadcast %get3A_12 : f32 to vector<1x128xf32>
    %mul3A_14 = arith.mulf %mul3A_13, %get3A_1 : vector<1x128xf32>
    %add3A = arith.addf %mul3A_10, %mul3A_14 : vector<1x128xf32>
    %get3A_15 = arith.constant 2 : index
    %get3A_16 = memref.load %arg3[%get3A_15] : memref<6xf32, #tpu.memory_space<smem>>
    %mul3A_17 = vector.broadcast %get3A_16 : f32 to vector<1x128xf32>
    %mul3A_18 = arith.mulf %mul3A_17, %concatenate3A_7 : vector<1x128xf32>
    %add3A_19 = arith.addf %add3A, %mul3A_18 : vector<1x128xf32>
    %get3A_20 = arith.constant 3 : index
    %get3A_21 = memref.load %arg3[%get3A_20] : memref<6xf32, #tpu.memory_space<smem>>
    %mul3A_22 = vector.broadcast %get3A_21 : f32 to vector<1x128xf32>
    %mul3A_23 = arith.mulf %mul3A_22, %concatenate3A : vector<1x128xf32>
    %get3A_24 = arith.constant 4 : index
    %get3A_25 = memref.load %arg3[%get3A_24] : memref<6xf32, #tpu.memory_space<smem>>
    %mul3A_26 = vector.broadcast %get3A_25 : f32 to vector<1x128xf32>
    %mul3A_27 = arith.mulf %mul3A_26, %get3A_1 : vector<1x128xf32>
    %add3A_28 = arith.addf %mul3A_23, %mul3A_27 : vector<1x128xf32>
    %get3A_29 = arith.constant 5 : index
    %get3A_30 = memref.load %arg3[%get3A_29] : memref<6xf32, #tpu.memory_space<smem>>
    %mul3A_31 = vector.broadcast %get3A_30 : f32 to vector<1x128xf32>
    %mul3A_32 = arith.mulf %mul3A_31, %concatenate3A_7 : vector<1x128xf32>
    %add3A_33 = arith.addf %add3A_28, %mul3A_32 : vector<1x128xf32>
    %broadcast_in_dim3A_34 = arith.constant 0.000000e+00 : f32
    %broadcast_in_dim3A_35 = vector.broadcast %broadcast_in_dim3A_34 : f32 to vector<1x1xf32>
    %slice3A_36 = vector.extract_strided_slice %get3A_4 {offsets = [0, 1], sizes = [1, 127], strides = [1, 1]} : vector<1x128xf32> to vector<1x127xf32>
    %concatenate3A_37 = tpu.concatenate %slice3A_36, %broadcast_in_dim3A_35 in 1 : vector<1x127xf32>, vector<1x1xf32> -> vector<1x128xf32>
    %slice3A_38 = vector.extract_strided_slice %get3A_4 {offsets = [0, 0], sizes = [1, 127], strides = [1, 1]} : vector<1x128xf32> to vector<1x127xf32>
    %concatenate3A_39 = tpu.concatenate %broadcast_in_dim3A_35, %slice3A_38 in 1 : vector<1x1xf32>, vector<1x127xf32> -> vector<1x128xf32>
    %get3A_40 = arith.constant 0 : index
    %get3A_41 = memref.load %arg4[%get3A_40] : memref<6xf32, #tpu.memory_space<smem>>
    %mul3A_42 = vector.broadcast %get3A_41 : f32 to vector<1x128xf32>
    %mul3A_43 = arith.mulf %mul3A_42, %concatenate3A_37 : vector<1x128xf32>
    %get3A_44 = arith.constant 1 : index
    %get3A_45 = memref.load %arg4[%get3A_44] : memref<6xf32, #tpu.memory_space<smem>>
    %mul3A_46 = vector.broadcast %get3A_45 : f32 to vector<1x128xf32>
    %mul3A_47 = arith.mulf %mul3A_46, %get3A_4 : vector<1x128xf32>
    %add3A_48 = arith.addf %mul3A_43, %mul3A_47 : vector<1x128xf32>
    %get3A_49 = arith.constant 2 : index
    %get3A_50 = memref.load %arg4[%get3A_49] : memref<6xf32, #tpu.memory_space<smem>>
    %mul3A_51 = vector.broadcast %get3A_50 : f32 to vector<1x128xf32>
    %mul3A_52 = arith.mulf %mul3A_51, %concatenate3A_39 : vector<1x128xf32>
    %add3A_53 = arith.addf %add3A_48, %mul3A_52 : vector<1x128xf32>
    %get3A_54 = arith.constant 3 : index
    %get3A_55 = memref.load %arg4[%get3A_54] : memref<6xf32, #tpu.memory_space<smem>>
    %mul3A_56 = vector.broadcast %get3A_55 : f32 to vector<1x128xf32>
    %mul3A_57 = arith.mulf %mul3A_56, %concatenate3A_37 : vector<1x128xf32>
    %get3A_58 = arith.constant 4 : index
    %get3A_59 = memref.load %arg4[%get3A_58] : memref<6xf32, #tpu.memory_space<smem>>
    %mul3A_60 = vector.broadcast %get3A_59 : f32 to vector<1x128xf32>
    %mul3A_61 = arith.mulf %mul3A_60, %get3A_4 : vector<1x128xf32>
    %add3A_62 = arith.addf %mul3A_57, %mul3A_61 : vector<1x128xf32>
    %get3A_63 = arith.constant 5 : index
    %get3A_64 = memref.load %arg4[%get3A_63] : memref<6xf32, #tpu.memory_space<smem>>
    %mul3A_65 = vector.broadcast %get3A_64 : f32 to vector<1x128xf32>
    %mul3A_66 = arith.mulf %mul3A_65, %concatenate3A_39 : vector<1x128xf32>
    %add3A_67 = arith.addf %add3A_62, %mul3A_66 : vector<1x128xf32>
    %get3A_68 = arith.constant 0 : index
    %get3A_69 = memref.load %arg6[%get3A_68] : memref<1xf32, #tpu.memory_space<smem>>
    %get3A_70 = arith.constant 0 : index
    %get3A_71 = memref.load %arg5[%get3A_70] : memref<1xf32, #tpu.memory_space<smem>>
    %reduce_sum3A = arith.constant dense<0.000000e+00> : vector<1xf32>
    %reduce_sum3A_72 = vector.multi_reduction <add>, %get3A_1, %reduce_sum3A [1] : vector<1x128xf32> to vector<1xf32>
    %broadcast_in_dim3A_73 = vector.shape_cast %reduce_sum3A_72 : vector<1xf32> to vector<1x1xf32>
    %mul3A_74 = vector.broadcast %get3A_71 : f32 to vector<1x1xf32>
    %mul3A_75 = arith.mulf %mul3A_74, %broadcast_in_dim3A_73 : vector<1x1xf32>
    %add3A_76 = vector.broadcast %get3A_69 : f32 to vector<1x1xf32>
    %add3A_77 = arith.addf %add3A_76, %mul3A_75 : vector<1x1xf32>
    %get3A_78 = arith.constant 0 : index
    %get3A_79 = memref.load %arg8[%get3A_78] : memref<1xf32, #tpu.memory_space<smem>>
    %get3A_80 = arith.constant 0 : index
    %get3A_81 = memref.load %arg7[%get3A_80] : memref<1xf32, #tpu.memory_space<smem>>
    %reduce_sum3A_82 = arith.constant dense<0.000000e+00> : vector<1xf32>
    %reduce_sum3A_83 = vector.multi_reduction <add>, %get3A_4, %reduce_sum3A_82 [1] : vector<1x128xf32> to vector<1xf32>
    %broadcast_in_dim3A_84 = vector.shape_cast %reduce_sum3A_83 : vector<1xf32> to vector<1x1xf32>
    %mul3A_85 = vector.broadcast %get3A_81 : f32 to vector<1x1xf32>
    %mul3A_86 = arith.mulf %mul3A_85, %broadcast_in_dim3A_84 : vector<1x1xf32>
    %add3A_87 = vector.broadcast %get3A_79 : f32 to vector<1x1xf32>
    %add3A_88 = arith.addf %add3A_87, %mul3A_86 : vector<1x1xf32>
    %lt3A = arith.constant 4 : i32
    %lt3A_89 = arith.cmpi slt, %arg0, %lt3A : i32
    %convert_element_type3A = arith.extui %lt3A_89 : i1 to i32
    %cond3A = arith.constant 0 : i32
    %cond3A_90 = arith.cmpi ne, %convert_element_type3A, %cond3A : i32
    scf.if %cond3A_90 {
      %get3A_95 = arith.constant 0 : index
      %get3A_96 = arith.constant 0 : index
      %get3A_97 = vector.load %arg9[%get3A_95, %get3A_96] : memref<800x128xf32, #tpu.memory_space<vmem>>, vector<800x128xf32>
      %reshape3A = vector.shape_cast %get3A_97 : vector<800x128xf32> to vector<50x16x128xf32>
      %reduce_sum3A_98 = arith.constant dense<0.000000e+00> : vector<50x128xf32>
      %reduce_sum3A_99 = vector.multi_reduction <add>, %reshape3A, %reduce_sum3A_98 [1] : vector<50x16x128xf32> to vector<50x128xf32>
      %div3A = arith.constant 1.600000e+01 : f32
      %div3A_100 = vector.broadcast %div3A : f32 to vector<50x128xf32>
      %div3A_101 = arith.divf %reduce_sum3A_99, %div3A_100 : vector<50x128xf32>
      %get3A_102 = arith.constant 0 : index
      %get3A_103 = arith.constant 0 : index
      %get3A_104 = vector.load %arg10[%get3A_102, %get3A_103] : memref<800x128xf32, #tpu.memory_space<vmem>>, vector<800x128xf32>
      %reshape3A_105 = vector.shape_cast %get3A_104 : vector<800x128xf32> to vector<50x16x128xf32>
      %reduce_sum3A_106 = arith.constant dense<0.000000e+00> : vector<50x128xf32>
      %reduce_sum3A_107 = vector.multi_reduction <add>, %reshape3A_105, %reduce_sum3A_106 [1] : vector<50x16x128xf32> to vector<50x128xf32>
      %div3A_108 = arith.constant 1.600000e+01 : f32
      %div3A_109 = vector.broadcast %div3A_108 : f32 to vector<50x128xf32>
      %div3A_110 = arith.divf %reduce_sum3A_107, %div3A_109 : vector<50x128xf32>
      %get3A_111 = arith.constant 0 : index
      %get3A_112 = arith.constant 0 : index
      %get3A_113 = vector.load %arg11[%get3A_111, %get3A_112] : memref<3200x128xf32, #tpu.memory_space<vmem>>, vector<3200x128xf32>
      %reshape3A_114 = vector.shape_cast %get3A_113 : vector<3200x128xf32> to vector<50x64x128xf32>
      %mul3A_115 = arith.constant 50 : i32
      %mul3A_116 = arith.muli %arg0, %mul3A_115 : i32
      %mul3A_117 = vector.broadcast %add3A_19 : vector<1x128xf32> to vector<50x128xf32>
      %mul3A_118 = arith.mulf %div3A_101, %mul3A_117 : vector<50x128xf32>
      %reduce_sum3A_119 = arith.constant dense<0.000000e+00> : vector<50xf32>
      %reduce_sum3A_120 = vector.multi_reduction <add>, %mul3A_118, %reduce_sum3A_119 [1] : vector<50x128xf32> to vector<50xf32>
      %broadcast_in_dim3A_121 = vector.shape_cast %reduce_sum3A_120 : vector<50xf32> to vector<50x1xf32>
      %swap3A = arith.index_cast %mul3A_116 : i32 to index
      %swap3A_122 = arith.constant 0 : index
      %swap3A_123 = vector.load %arg13[%swap3A, %swap3A_122] : memref<200x1xf32, #tpu.memory_space<vmem>>, vector<50x1xf32>
      tpu.vector_store %arg13[%swap3A, %swap3A_122], %broadcast_in_dim3A_121 {strides = array<i32>} : memref<200x1xf32, #tpu.memory_space<vmem>>, vector<50x1xf32>,
      %mul3A_124 = vector.broadcast %add3A_33 : vector<1x128xf32> to vector<50x128xf32>
      %mul3A_125 = arith.mulf %div3A_101, %mul3A_124 : vector<50x128xf32>
      %reduce_sum3A_126 = arith.constant dense<0.000000e+00> : vector<50xf32>
      %reduce_sum3A_127 = vector.multi_reduction <add>, %mul3A_125, %reduce_sum3A_126 [1] : vector<50x128xf32> to vector<50xf32>
      %broadcast_in_dim3A_128 = vector.shape_cast %reduce_sum3A_127 : vector<50xf32> to vector<50x1xf32>
      %swap3A_129 = arith.index_cast %mul3A_116 : i32 to index
      %swap3A_130 = arith.constant 0 : index
      %swap3A_131 = vector.load %arg14[%swap3A_129, %swap3A_130] : memref<200x1xf32, #tpu.memory_space<vmem>>, vector<50x1xf32>
      tpu.vector_store %arg14[%swap3A_129, %swap3A_130], %broadcast_in_dim3A_128 {strides = array<i32>} : memref<200x1xf32, #tpu.memory_space<vmem>>, vector<50x1xf32>,
      %mul3A_132 = vector.broadcast %add3A_19 : vector<1x128xf32> to vector<50x128xf32>
      %mul3A_133 = arith.mulf %div3A_110, %mul3A_132 : vector<50x128xf32>
      %reduce_sum3A_134 = arith.constant dense<0.000000e+00> : vector<50xf32>
      %reduce_sum3A_135 = vector.multi_reduction <add>, %mul3A_133, %reduce_sum3A_134 [1] : vector<50x128xf32> to vector<50xf32>
      %broadcast_in_dim3A_136 = vector.shape_cast %reduce_sum3A_135 : vector<50xf32> to vector<50x1xf32>
      %swap3A_137 = arith.index_cast %mul3A_116 : i32 to index
      %swap3A_138 = arith.constant 0 : index
      %swap3A_139 = vector.load %arg15[%swap3A_137, %swap3A_138] : memref<200x1xf32, #tpu.memory_space<vmem>>, vector<50x1xf32>
      tpu.vector_store %arg15[%swap3A_137, %swap3A_138], %broadcast_in_dim3A_136 {strides = array<i32>} : memref<200x1xf32, #tpu.memory_space<vmem>>, vector<50x1xf32>,
      %mul3A_140 = vector.broadcast %add3A_53 : vector<1x128xf32> to vector<50x128xf32>
      %mul3A_141 = arith.mulf %div3A_110, %mul3A_140 : vector<50x128xf32>
      %reduce_sum3A_142 = arith.constant dense<0.000000e+00> : vector<50xf32>
      %reduce_sum3A_143 = vector.multi_reduction <add>, %mul3A_141, %reduce_sum3A_142 [1] : vector<50x128xf32> to vector<50xf32>
      %broadcast_in_dim3A_144 = vector.shape_cast %reduce_sum3A_143 : vector<50xf32> to vector<50x1xf32>
      %swap3A_145 = arith.index_cast %mul3A_116 : i32 to index
      %swap3A_146 = arith.constant 0 : index
      %swap3A_147 = vector.load %arg16[%swap3A_145, %swap3A_146] : memref<200x1xf32, #tpu.memory_space<vmem>>, vector<50x1xf32>
      tpu.vector_store %arg16[%swap3A_145, %swap3A_146], %broadcast_in_dim3A_144 {strides = array<i32>} : memref<200x1xf32, #tpu.memory_space<vmem>>, vector<50x1xf32>,
      %mul3A_148 = vector.broadcast %add3A_67 : vector<1x128xf32> to vector<50x128xf32>
      %mul3A_149 = arith.mulf %div3A_110, %mul3A_148 : vector<50x128xf32>
      %reduce_sum3A_150 = arith.constant dense<0.000000e+00> : vector<50xf32>
      %reduce_sum3A_151 = vector.multi_reduction <add>, %mul3A_149, %reduce_sum3A_150 [1] : vector<50x128xf32> to vector<50xf32>
      %broadcast_in_dim3A_152 = vector.shape_cast %reduce_sum3A_151 : vector<50xf32> to vector<50x1xf32>
      %swap3A_153 = arith.index_cast %mul3A_116 : i32 to index
      %swap3A_154 = arith.constant 0 : index
      %swap3A_155 = vector.load %arg17[%swap3A_153, %swap3A_154] : memref<200x1xf32, #tpu.memory_space<vmem>>, vector<50x1xf32>
      tpu.vector_store %arg17[%swap3A_153, %swap3A_154], %broadcast_in_dim3A_152 {strides = array<i32>} : memref<200x1xf32, #tpu.memory_space<vmem>>, vector<50x1xf32>,
      %broadcast_in_dim3A_156 = vector.shape_cast %add3A_53 : vector<1x128xf32> to vector<1x1x128xf32>
      %mul3A_157 = vector.broadcast %broadcast_in_dim3A_156 : vector<1x1x128xf32> to vector<50x64x128xf32>
      %mul3A_158 = arith.mulf %reshape3A_114, %mul3A_157 : vector<50x64x128xf32>
      %reduce_sum3A_159 = arith.constant dense<0.000000e+00> : vector<50x64xf32>
      %reduce_sum3A_160 = vector.multi_reduction <add>, %mul3A_158, %reduce_sum3A_159 [2] : vector<50x64x128xf32> to vector<50x64xf32>
      %broadcast_in_dim3A_161 = vector.shape_cast %add3A_67 : vector<1x128xf32> to vector<1x1x128xf32>
      %mul3A_162 = vector.broadcast %broadcast_in_dim3A_161 : vector<1x1x128xf32> to vector<50x64x128xf32>
      %mul3A_163 = arith.mulf %reshape3A_114, %mul3A_162 : vector<50x64x128xf32>
      %reduce_sum3A_164 = arith.constant dense<0.000000e+00> : vector<50x64xf32>
      %reduce_sum3A_165 = vector.multi_reduction <add>, %mul3A_163, %reduce_sum3A_164 [2] : vector<50x64x128xf32> to vector<50x64xf32>
      %broadcast_in_dim3A_166 = vector.shape_cast %add3A_33 : vector<1x128xf32> to vector<1x1x128xf32>
      %mul3A_167 = vector.broadcast %broadcast_in_dim3A_166 : vector<1x1x128xf32> to vector<50x64x128xf32>
      %mul3A_168 = arith.mulf %reshape3A_114, %mul3A_167 : vector<50x64x128xf32>
      %reduce_sum3A_169 = arith.constant dense<0.000000e+00> : vector<50x64xf32>
      %reduce_sum3A_170 = vector.multi_reduction <add>, %mul3A_168, %reduce_sum3A_169 [2] : vector<50x64x128xf32> to vector<50x64xf32>
      %swap3A_171 = arith.index_cast %mul3A_116 : i32 to index
      %swap3A_172 = arith.constant 0 : index
      %swap3A_173 = vector.load %arg18[%swap3A_171, %swap3A_172] : memref<200x64xf32, #tpu.memory_space<vmem>>, vector<50x64xf32>
      tpu.vector_store %arg18[%swap3A_171, %swap3A_172], %reduce_sum3A_160 {strides = array<i32>} : memref<200x64xf32, #tpu.memory_space<vmem>>, vector<50x64xf32>,
      %swap3A_174 = arith.index_cast %mul3A_116 : i32 to index
      %swap3A_175 = arith.constant 0 : index
      %swap3A_176 = vector.load %arg19[%swap3A_174, %swap3A_175] : memref<200x64xf32, #tpu.memory_space<vmem>>, vector<50x64xf32>
      tpu.vector_store %arg19[%swap3A_174, %swap3A_175], %reduce_sum3A_165 {strides = array<i32>} : memref<200x64xf32, #tpu.memory_space<vmem>>, vector<50x64xf32>,
      %add3A_177 = vector.broadcast %add3A_77 : vector<1x1xf32> to vector<50x1xf32>
      %add3A_178 = arith.addf %add3A_177, %broadcast_in_dim3A_121 : vector<50x1xf32>
      %add3A_179 = vector.broadcast %add3A_178 : vector<50x1xf32> to vector<50x64xf32>
      %add3A_180 = arith.addf %add3A_179, %reduce_sum3A_170 : vector<50x64xf32>
      %logistic3A = arith.negf %add3A_180 : vector<50x64xf32>
      %logistic3A_181 = math.exp %logistic3A : vector<50x64xf32>
      %logistic3A_182 = arith.constant 1.000000e+00 : f32
      %logistic3A_183 = vector.broadcast %logistic3A_182 : f32 to vector<50x64xf32>
      %logistic3A_184 = arith.addf %logistic3A_183, %logistic3A_181 : vector<50x64xf32>
      %logistic3A_185 = arith.divf %logistic3A_183, %logistic3A_184 : vector<50x64xf32>
      %exp3A = math.exp %logistic3A_185 : vector<50x64xf32>
      %swap3A_186 = arith.index_cast %mul3A_116 : i32 to index
      %swap3A_187 = arith.constant 0 : index
      %swap3A_188 = vector.load %arg20[%swap3A_186, %swap3A_187] : memref<200x64xf32, #tpu.memory_space<vmem>>, vector<50x64xf32>
      tpu.vector_store %arg20[%swap3A_186, %swap3A_187], %exp3A {strides = array<i32>} : memref<200x64xf32, #tpu.memory_space<vmem>>, vector<50x64xf32>,
      %reshape3A_189 = vector.shape_cast %add3A_88 : vector<1x1xf32> to vector<1x1x1xf32>
      %eq3A_190 = arith.constant 0 : i32
      %eq3A_191 = arith.cmpi eq, %arg0, %eq3A_190 : i32
      %convert_element_type3A_192 = arith.extui %eq3A_191 : i1 to i32
      %cond3A_193 = arith.constant 0 : i32
      %cond3A_194 = arith.cmpi ne, %convert_element_type3A_192, %cond3A_193 : i32
      scf.if %cond3A_194 {
        %slice3A_199 = vector.extract_strided_slice %reduce_sum3A_160 {offsets = [0, 0], sizes = [49, 64], strides = [1, 1]} : vector<50x64xf32> to vector<49x64xf32>
        %broadcast_in_dim3A_200 = vector.shape_cast %slice3A_199 : vector<49x64xf32> to vector<49x64x1xf32>
        %add3A_201 = vector.broadcast %reshape3A_189 : vector<1x1x1xf32> to vector<49x64x1xf32>
        %add3A_202 = arith.addf %add3A_201, %broadcast_in_dim3A_200 : vector<49x64x1xf32>
        %slice3A_203 = vector.extract_strided_slice %reduce_sum3A_165 {offsets = [1, 0], sizes = [49, 64], strides = [1, 1]} : vector<50x64xf32> to vector<49x64xf32>
        %broadcast_in_dim3A_204 = vector.shape_cast %slice3A_203 : vector<49x64xf32> to vector<49x1x64xf32>
        %add3A_205 = vector.broadcast %add3A_202 : vector<49x64x1xf32> to vector<49x64x64xf32>
        %add3A_206 = vector.broadcast %broadcast_in_dim3A_204 : vector<49x1x64xf32> to vector<49x64x64xf32>
        %add3A_207 = arith.addf %add3A_205, %add3A_206 : vector<49x64x64xf32>
        %logistic3A_208 = arith.negf %add3A_207 : vector<49x64x64xf32>
        %logistic3A_209 = math.exp %logistic3A_208 : vector<49x64x64xf32>
        %logistic3A_210 = arith.constant 1.000000e+00 : f32
        %logistic3A_211 = vector.broadcast %logistic3A_210 : f32 to vector<49x64x64xf32>
        %logistic3A_212 = arith.addf %logistic3A_211, %logistic3A_209 : vector<49x64x64xf32>
        %logistic3A_213 = arith.divf %logistic3A_211, %logistic3A_212 : vector<49x64x64xf32>
        %exp3A_214 = math.exp %logistic3A_213 : vector<49x64x64xf32>
        %slice3A_215 = vector.extract_strided_slice %exp3A {offsets = [1, 0], sizes = [49, 64], strides = [1, 1]} : vector<50x64xf32> to vector<49x64xf32>
        %broadcast_in_dim3A_216 = vector.shape_cast %slice3A_215 : vector<49x64xf32> to vector<49x1x64xf32>
        %mul3A_217 = vector.broadcast %broadcast_in_dim3A_216 : vector<49x1x64xf32> to vector<49x64x64xf32>
        %mul3A_218 = arith.mulf %exp3A_214, %mul3A_217 : vector<49x64x64xf32>
        %swap3A_219 = arith.constant 0 : index
        %swap3A_220 = arith.constant 0 : index
        %swap3A_221 = arith.constant 0 : index
        %swap3A_222 = vector.load %arg21[%swap3A_219, %swap3A_220, %swap3A_221] : memref<200x64x64xf32, #tpu.memory_space<vmem>>, vector<49x64x64xf32>
        tpu.vector_store %arg21[%swap3A_219, %swap3A_220, %swap3A_221], %mul3A_218 {strides = array<i32>} : memref<200x64x64xf32, #tpu.memory_space<vmem>>, vector<49x64x64xf32>,
        %transpose3A = tpu.transpose %mul3A_218, [0, 2, 1] : vector<49x64x64xf32> -> vector<49x64x64xf32>
        %swap3A_223 = arith.constant 0 : index
        %swap3A_224 = arith.constant 0 : index
        %swap3A_225 = arith.constant 0 : index
        %swap3A_226 = vector.load %arg22[%swap3A_223, %swap3A_224, %swap3A_225] : memref<200x64x64xf32, #tpu.memory_space<vmem>>, vector<49x64x64xf32>
        tpu.vector_store %arg22[%swap3A_223, %swap3A_224, %swap3A_225], %transpose3A {strides = array<i32>} : memref<200x64x64xf32, #tpu.memory_space<vmem>>, vector<49x64x64xf32>,
      } else {
      }
      %gt3A = arith.constant 0 : i32
      %gt3A_195 = arith.cmpi sgt, %arg0, %gt3A : i32
      %convert_element_type3A_196 = arith.extui %gt3A_195 : i1 to i32
      %cond3A_197 = arith.constant 0 : i32
      %cond3A_198 = arith.cmpi ne, %convert_element_type3A_196, %cond3A_197 : i32
      scf.if %cond3A_198 {
        %mul3A_199 = arith.constant 50 : i32
        %mul3A_200 = arith.muli %arg0, %mul3A_199 : i32
        %sub3A = arith.constant 1 : i32
        %sub3A_201 = arith.subi %mul3A_200, %sub3A : i32
        %get3A_202 = arith.index_cast %sub3A_201 : i32 to index
        %get3A_203 = arith.constant 0 : index
        %get3A_204 = vector.load %arg18[%get3A_202, %get3A_203] : memref<200x64xf32, #tpu.memory_space<vmem>>, vector<50x64xf32>
        %mul3A_205 = arith.constant 50 : i32
        %mul3A_206 = arith.muli %arg0, %mul3A_205 : i32
        %get3A_207 = arith.index_cast %mul3A_206 : i32 to index
        %get3A_208 = arith.constant 0 : index
        %get3A_209 = vector.load %arg19[%get3A_207, %get3A_208] : memref<200x64xf32, #tpu.memory_space<vmem>>, vector<50x64xf32>
        %mul3A_210 = arith.constant 50 : i32
        %mul3A_211 = arith.muli %arg0, %mul3A_210 : i32
        %get3A_212 = arith.index_cast %mul3A_211 : i32 to index
        %get3A_213 = arith.constant 0 : index
        %get3A_214 = vector.load %arg20[%get3A_212, %get3A_213] : memref<200x64xf32, #tpu.memory_space<vmem>>, vector<50x64xf32>
        %broadcast_in_dim3A_215 = vector.shape_cast %get3A_204 : vector<50x64xf32> to vector<50x64x1xf32>
        %add3A_216 = vector.broadcast %reshape3A_189 : vector<1x1x1xf32> to vector<50x64x1xf32>
        %add3A_217 = arith.addf %add3A_216, %broadcast_in_dim3A_215 : vector<50x64x1xf32>
        %broadcast_in_dim3A_218 = vector.shape_cast %get3A_209 : vector<50x64xf32> to vector<50x1x64xf32>
        %add3A_219 = vector.broadcast %add3A_217 : vector<50x64x1xf32> to vector<50x64x64xf32>
        %add3A_220 = vector.broadcast %broadcast_in_dim3A_218 : vector<50x1x64xf32> to vector<50x64x64xf32>
        %add3A_221 = arith.addf %add3A_219, %add3A_220 : vector<50x64x64xf32>
        %logistic3A_222 = arith.negf %add3A_221 : vector<50x64x64xf32>
        %logistic3A_223 = math.exp %logistic3A_222 : vector<50x64x64xf32>
        %logistic3A_224 = arith.constant 1.000000e+00 : f32
        %logistic3A_225 = vector.broadcast %logistic3A_224 : f32 to vector<50x64x64xf32>
        %logistic3A_226 = arith.addf %logistic3A_225, %logistic3A_223 : vector<50x64x64xf32>
        %logistic3A_227 = arith.divf %logistic3A_225, %logistic3A_226 : vector<50x64x64xf32>
        %exp3A_228 = math.exp %logistic3A_227 : vector<50x64x64xf32>
        %broadcast_in_dim3A_229 = vector.shape_cast %get3A_214 : vector<50x64xf32> to vector<50x1x64xf32>
        %mul3A_230 = vector.broadcast %broadcast_in_dim3A_229 : vector<50x1x64xf32> to vector<50x64x64xf32>
        %mul3A_231 = arith.mulf %exp3A_228, %mul3A_230 : vector<50x64x64xf32>
        %swap3A_232 = arith.index_cast %sub3A_201 : i32 to index
        %swap3A_233 = arith.constant 0 : index
        %swap3A_234 = arith.constant 0 : index
        %swap3A_235 = vector.load %arg21[%swap3A_232, %swap3A_233, %swap3A_234] : memref<200x64x64xf32, #tpu.memory_space<vmem>>, vector<50x64x64xf32>
        tpu.vector_store %arg21[%swap3A_232, %swap3A_233, %swap3A_234], %mul3A_231 {strides = array<i32>} : memref<200x64x64xf32, #tpu.memory_space<vmem>>, vector<50x64x64xf32>,
        %transpose3A = tpu.transpose %mul3A_231, [0, 2, 1] : vector<50x64x64xf32> -> vector<50x64x64xf32>
        %swap3A_236 = arith.index_cast %sub3A_201 : i32 to index
        %swap3A_237 = arith.constant 0 : index
        %swap3A_238 = arith.constant 0 : index
        %swap3A_239 = vector.load %arg22[%swap3A_236, %swap3A_237, %swap3A_238] : memref<200x64x64xf32, #tpu.memory_space<vmem>>, vector<50x64x64xf32>
        tpu.vector_store %arg22[%swap3A_236, %swap3A_237, %swap3A_238], %transpose3A {strides = array<i32>} : memref<200x64x64xf32, #tpu.memory_space<vmem>>, vector<50x64x64xf32>,
      } else {
      }
    } else {
    }
    %eq3A = arith.constant 3 : i32
    %eq3A_91 = arith.cmpi eq, %arg0, %eq3A : i32
    %convert_element_type3A_92 = arith.extui %eq3A_91 : i1 to i32
    %cond3A_93 = arith.constant 0 : i32
    %cond3A_94 = arith.cmpi ne, %convert_element_type3A_92, %cond3A_93 : i32
    scf.if %cond3A_94 {
      %get3A_95 = arith.constant 0 : index
      %get3A_96 = arith.constant 0 : index
      %get3A_97 = vector.load %arg15[%get3A_95, %get3A_96] : memref<200x1xf32, #tpu.memory_space<vmem>>, vector<200x1xf32>
      %add3A_98 = vector.broadcast %add3A_77 : vector<1x1xf32> to vector<200x1xf32>
      %add3A_99 = arith.addf %add3A_98, %get3A_97 : vector<200x1xf32>
      %get3A_100 = arith.constant 0 : index
      %get3A_101 = arith.constant 0 : index
      %get3A_102 = vector.load %arg14[%get3A_100, %get3A_101] : memref<200x1xf32, #tpu.memory_space<vmem>>, vector<200x1xf32>
      %add3A_103 = arith.addf %add3A_99, %get3A_102 : vector<200x1xf32>
      %logistic3A = arith.negf %add3A_103 : vector<200x1xf32>
      %logistic3A_104 = math.exp %logistic3A : vector<200x1xf32>
      %logistic3A_105 = arith.constant 1.000000e+00 : f32
      %logistic3A_106 = vector.broadcast %logistic3A_105 : f32 to vector<200x1xf32>
      %logistic3A_107 = arith.addf %logistic3A_106, %logistic3A_104 : vector<200x1xf32>
      %logistic3A_108 = arith.divf %logistic3A_106, %logistic3A_107 : vector<200x1xf32>
      %get3A_109 = arith.constant 1 : index
      %get3A_110 = arith.constant 0 : index
      %get3A_111 = vector.load %arg16[%get3A_109, %get3A_110] : memref<200x1xf32, #tpu.memory_space<vmem>>, vector<199x1xf32>
      %add3A_112 = vector.broadcast %add3A_88 : vector<1x1xf32> to vector<199x1xf32>
      %add3A_113 = arith.addf %add3A_112, %get3A_111 : vector<199x1xf32>
      %get3A_114 = arith.constant 0 : index
      %get3A_115 = arith.constant 0 : index
      %get3A_116 = vector.load %arg17[%get3A_114, %get3A_115] : memref<200x1xf32, #tpu.memory_space<vmem>>, vector<199x1xf32>
      %add3A_117 = arith.addf %add3A_113, %get3A_116 : vector<199x1xf32>
      %logistic3A_118 = arith.negf %add3A_117 : vector<199x1xf32>
      %logistic3A_119 = math.exp %logistic3A_118 : vector<199x1xf32>
      %logistic3A_120 = arith.constant 1.000000e+00 : f32
      %logistic3A_121 = vector.broadcast %logistic3A_120 : f32 to vector<199x1xf32>
      %logistic3A_122 = arith.addf %logistic3A_121, %logistic3A_119 : vector<199x1xf32>
      %logistic3A_123 = arith.divf %logistic3A_121, %logistic3A_122 : vector<199x1xf32>
      %reduce_sum3A_124 = arith.constant dense<0.000000e+00> : vector<1xf32>
      %reduce_sum3A_125 = vector.multi_reduction <add>, %logistic3A_108, %reduce_sum3A_124 [0] : vector<200x1xf32> to vector<1xf32>
      %broadcast_in_dim3A_126 = vector.shape_cast %reduce_sum3A_125 : vector<1xf32> to vector<1x1xf32>
      %reduce_sum3A_127 = arith.constant dense<0.000000e+00> : vector<1xf32>
      %reduce_sum3A_128 = vector.multi_reduction <add>, %logistic3A_123, %reduce_sum3A_127 [0] : vector<199x1xf32> to vector<1xf32>
      %broadcast_in_dim3A_129 = vector.shape_cast %reduce_sum3A_128 : vector<1xf32> to vector<1x1xf32>
      %add3A_130 = arith.addf %broadcast_in_dim3A_126, %broadcast_in_dim3A_129 : vector<1x1xf32>
      %iota3A = tpu.iota {dimensions = array<i32: 0>} : vector<64x64xi32>
      %iota3A_131 = tpu.iota {dimensions = array<i32: 1>} : vector<64x64xi32>
      %eq3A_132 = arith.cmpi eq, %iota3A, %iota3A_131 : vector<64x64xi32>
      %jit3A = arith.constant 1.000000e+00 : f32
      %jit3A_133 = arith.constant 0.000000e+00 : f32
      %broadcast_in_dim3A_134 = vector.broadcast %jit3A : f32 to vector<64x64xf32>
      %broadcast_in_dim3A_135 = vector.broadcast %jit3A_133 : f32 to vector<64x64xf32>
      %select_n3A = arith.select %eq3A_132, %broadcast_in_dim3A_134, %broadcast_in_dim3A_135 : vector<64x64xi1>, vector<64x64xf32>
      %reshape3A = vector.shape_cast %select_n3A : vector<64x64xf32> to vector<1x64x64xf32>
      %swap3A = arith.constant 199 : index
      %swap3A_136 = arith.constant 0 : index
      %swap3A_137 = arith.constant 0 : index
      %swap3A_138 = vector.load %arg21[%swap3A, %swap3A_136, %swap3A_137] : memref<200x64x64xf32, #tpu.memory_space<vmem>>, vector<1x64x64xf32>
      tpu.vector_store %arg21[%swap3A, %swap3A_136, %swap3A_137], %reshape3A {strides = array<i32>} : memref<200x64x64xf32, #tpu.memory_space<vmem>>, vector<1x64x64xf32>,
      %reshape3A_139 = vector.shape_cast %select_n3A : vector<64x64xf32> to vector<1x64x64xf32>
      %swap3A_140 = arith.constant 199 : index
      %swap3A_141 = arith.constant 0 : index
      %swap3A_142 = arith.constant 0 : index
      %swap3A_143 = vector.load %arg22[%swap3A_140, %swap3A_141, %swap3A_142] : memref<200x64x64xf32, #tpu.memory_space<vmem>>, vector<1x64x64xf32>
      tpu.vector_store %arg22[%swap3A_140, %swap3A_141, %swap3A_142], %reshape3A_139 {strides = array<i32>} : memref<200x64x64xf32, #tpu.memory_space<vmem>>, vector<1x64x64xf32>,
      %get3A_144 = arith.constant 0 : index
      %get3A_145 = arith.constant 0 : index
      %get3A_146 = vector.load %arg20[%get3A_144, %get3A_145] : memref<200x64xf32, #tpu.memory_space<vmem>>, vector<1x64xf32>
      %broadcast_in_dim3A_147 = arith.constant 1.000000e+00 : f32
      %broadcast_in_dim3A_148 = vector.broadcast %broadcast_in_dim3A_147 : f32 to vector<1x64xf32>
      %broadcast_in_dim3A_149 = arith.constant 0.000000e+00 : f32
      %broadcast_in_dim3A_150 = vector.broadcast %broadcast_in_dim3A_149 : f32 to vector<1x1xf32>
      %scan3A = arith.constant 0 : i32
      %scan3A_151 = arith.constant 10 : i32
      %scan3A_152 = arith.addi %scan3A, %scan3A_151 : i32
      %scan3A_153 = arith.constant 1 : i32
      %scan3A_154:4 = scf.for %scan3A_178 = %scan3A to %scan3A_152 step %scan3A_153 iter_args(%scan3A_179 = %get3A_146, %scan3A_180 = %broadcast_in_dim3A_148, %scan3A_181 = %broadcast_in_dim3A_150, %scan3A_182 = %broadcast_in_dim3A_150) -> (vector<1x64xf32>, vector<1x64xf32>, vector<1x1xf32>, vector<1x1xf32>)  : i32 {
        %mul3A_183 = arith.constant 10 : i32
        %mul3A_184 = arith.muli %mul3A_183, %scan3A_178 : i32
        %add3A_185 = arith.constant 0 : i32
        %add3A_186 = arith.addi %mul3A_184, %add3A_185 : i32
        %add3A_187 = arith.constant 200 : i32
        %add3A_188 = arith.addi %add3A_186, %add3A_187 : i32
        %sub3A_189 = arith.constant 1 : i32
        %sub3A_190 = arith.subi %add3A_188, %sub3A_189 : i32
        %jit3A_191 = arith.constant 200 : i32
        %eq3A_192 = arith.constant 0 : i32
        %eq3A_193 = arith.cmpi eq, %jit3A_191, %eq3A_192 : i32
        %jit3A_194 = arith.constant 1 : i32
        %select_n3A_195 = arith.select %eq3A_193, %jit3A_194, %jit3A_191 : i32
        %rem3A = arith.remsi %sub3A_190, %select_n3A_195 : i32
        %ne3A = arith.constant 0 : i32
        %ne3A_196 = arith.cmpi ne, %rem3A, %ne3A : i32
        %lt3A_197 = arith.constant 0 : i32
        %lt3A_198 = arith.cmpi slt, %rem3A, %lt3A_197 : i32
        %lt3A_199 = arith.constant 0 : i32
        %lt3A_200 = arith.cmpi slt, %select_n3A_195, %lt3A_199 : i32
        %ne3A_201 = arith.xori %lt3A_198, %lt3A_200 : i1
        %and3A = arith.andi %ne3A_201, %ne3A_196 : i1
        %add3A_202 = arith.addi %rem3A, %select_n3A_195 : i32
        %select_n3A_203 = arith.select %and3A, %add3A_202, %rem3A : i32
        %mul3A_204 = arith.constant 10 : i32
        %mul3A_205 = arith.muli %mul3A_204, %scan3A_178 : i32
        %sub3A_206 = arith.constant 199 : i32
        %sub3A_207 = arith.subi %sub3A_206, %mul3A_205 : i32
        %sub3A_208 = arith.constant 0 : i32
        %sub3A_209 = arith.subi %sub3A_207, %sub3A_208 : i32
        %get3A_210 = arith.index_cast %select_n3A_203 : i32 to index
        %get3A_211 = arith.constant 0 : index
        %get3A_212 = arith.constant 0 : index
        %get3A_213 = vector.load %arg22[%get3A_210, %get3A_211, %get3A_212] : memref<200x64x64xf32, #tpu.memory_space<vmem>>, vector<1x64x64xf32>
        %reshape3A_214 = vector.shape_cast %get3A_213 : vector<1x64x64xf32> to vector<64x64xf32>
        %mul3A_215 = vector.broadcast %scan3A_179 : vector<1x64xf32> to vector<64x64xf32>
        %mul3A_216 = arith.mulf %reshape3A_214, %mul3A_215 : vector<64x64xf32>
        %reduce_sum3A_217 = arith.constant dense<0.000000e+00> : vector<64xf32>
        %reduce_sum3A_218 = vector.multi_reduction <add>, %mul3A_216, %reduce_sum3A_217 [1] : vector<64x64xf32> to vector<64xf32>
        %broadcast_in_dim3A_219 = vector.shape_cast %reduce_sum3A_218 : vector<64xf32> to vector<64x1xf32>
        %get3A_220 = arith.index_cast %sub3A_209 : i32 to index
        %get3A_221 = arith.constant 0 : index
        %get3A_222 = arith.constant 0 : index
        %get3A_223 = vector.load %arg21[%get3A_220, %get3A_221, %get3A_222] : memref<200x64x64xf32, #tpu.memory_space<vmem>>, vector<1x64x64xf32>
        %reshape3A_224 = vector.shape_cast %get3A_223 : vector<1x64x64xf32> to vector<64x64xf32>
        %mul3A_225 = vector.broadcast %scan3A_180 : vector<1x64xf32> to vector<64x64xf32>
        %mul3A_226 = arith.mulf %reshape3A_224, %mul3A_225 : vector<64x64xf32>
        %reduce_sum3A_227 = arith.constant dense<0.000000e+00> : vector<64xf32>
        %reduce_sum3A_228 = vector.multi_reduction <add>, %mul3A_226, %reduce_sum3A_227 [1] : vector<64x64xf32> to vector<64xf32>
        %broadcast_in_dim3A_229 = vector.shape_cast %reduce_sum3A_228 : vector<64xf32> to vector<64x1xf32>
        %mul3A_230 = arith.constant 10 : i32
        %mul3A_231 = arith.muli %mul3A_230, %scan3A_178 : i32
        %add3A_232 = arith.constant 1 : i32
        %add3A_233 = arith.addi %mul3A_231, %add3A_232 : i32
        %add3A_234 = arith.constant 200 : i32
        %add3A_235 = arith.addi %add3A_233, %add3A_234 : i32
        %sub3A_236 = arith.constant 1 : i32
        %sub3A_237 = arith.subi %add3A_235, %sub3A_236 : i32
        %jit3A_238 = arith.constant 200 : i32
        %eq3A_239 = arith.constant 0 : i32
        %eq3A_240 = arith.cmpi eq, %jit3A_238, %eq3A_239 : i32
        %jit3A_241 = arith.constant 1 : i32
        %select_n3A_242 = arith.select %eq3A_240, %jit3A_241, %jit3A_238 : i32
        %rem3A_243 = arith.remsi %sub3A_237, %select_n3A_242 : i32
        %ne3A_244 = arith.constant 0 : i32
        %ne3A_245 = arith.cmpi ne, %rem3A_243, %ne3A_244 : i32
        %lt3A_246 = arith.constant 0 : i32
        %lt3A_247 = arith.cmpi slt, %rem3A_243, %lt3A_246 : i32
        %lt3A_248 = arith.constant 0 : i32
        %lt3A_249 = arith.cmpi slt, %select_n3A_242, %lt3A_248 : i32
        %ne3A_250 = arith.xori %lt3A_247, %lt3A_249 : i1
        %and3A_251 = arith.andi %ne3A_250, %ne3A_245 : i1
        %add3A_252 = arith.addi %rem3A_243, %select_n3A_242 : i32
        %select_n3A_253 = arith.select %and3A_251, %add3A_252, %rem3A_243 : i32
        %mul3A_254 = arith.constant 10 : i32
        %mul3A_255 = arith.muli %mul3A_254, %scan3A_178 : i32
        %sub3A_256 = arith.constant 199 : i32
        %sub3A_257 = arith.subi %sub3A_256, %mul3A_255 : i32
        %sub3A_258 = arith.constant 1 : i32
        %sub3A_259 = arith.subi %sub3A_257, %sub3A_258 : i32
        %get3A_260 = arith.index_cast %select_n3A_253 : i32 to index
        %get3A_261 = arith.constant 0 : index
        %get3A_262 = arith.constant 0 : index
        %get3A_263 = vector.load %arg21[%get3A_260, %get3A_261, %get3A_262] : memref<200x64x64xf32, #tpu.memory_space<vmem>>, vector<1x64x64xf32>
        %reshape3A_264 = vector.shape_cast %get3A_263 : vector<1x64x64xf32> to vector<64x64xf32>
        %mul3A_265 = vector.broadcast %broadcast_in_dim3A_219 : vector<64x1xf32> to vector<64x64xf32>
        %mul3A_266 = arith.mulf %reshape3A_264, %mul3A_265 : vector<64x64xf32>
        %reduce_sum3A_267 = arith.constant dense<0.000000e+00> : vector<64xf32>
        %reduce_sum3A_268 = vector.multi_reduction <add>, %mul3A_266, %reduce_sum3A_267 [0] : vector<64x64xf32> to vector<64xf32>
        %broadcast_in_dim3A_269 = vector.shape_cast %reduce_sum3A_268 : vector<64xf32> to vector<1x64xf32>
        %get3A_270 = arith.index_cast %sub3A_259 : i32 to index
        %get3A_271 = arith.constant 0 : index
        %get3A_272 = arith.constant 0 : index
        %get3A_273 = vector.load %arg22[%get3A_270, %get3A_271, %get3A_272] : memref<200x64x64xf32, #tpu.memory_space<vmem>>, vector<1x64x64xf32>
        %reshape3A_274 = vector.shape_cast %get3A_273 : vector<1x64x64xf32> to vector<64x64xf32>
        %mul3A_275 = vector.broadcast %broadcast_in_dim3A_229 : vector<64x1xf32> to vector<64x64xf32>
        %mul3A_276 = arith.mulf %reshape3A_274, %mul3A_275 : vector<64x64xf32>
        %reduce_sum3A_277 = arith.constant dense<0.000000e+00> : vector<64xf32>
        %reduce_sum3A_278 = vector.multi_reduction <add>, %mul3A_276, %reduce_sum3A_277 [0] : vector<64x64xf32> to vector<64xf32>
        %broadcast_in_dim3A_279 = vector.shape_cast %reduce_sum3A_278 : vector<64xf32> to vector<1x64xf32>
        %mul3A_280 = arith.constant 10 : i32
        %mul3A_281 = arith.muli %mul3A_280, %scan3A_178 : i32
        %add3A_282 = arith.constant 2 : i32
        %add3A_283 = arith.addi %mul3A_281, %add3A_282 : i32
        %add3A_284 = arith.constant 200 : i32
        %add3A_285 = arith.addi %add3A_283, %add3A_284 : i32
        %sub3A_286 = arith.constant 1 : i32
        %sub3A_287 = arith.subi %add3A_285, %sub3A_286 : i32
        %jit3A_288 = arith.constant 200 : i32
        %eq3A_289 = arith.constant 0 : i32
        %eq3A_290 = arith.cmpi eq, %jit3A_288, %eq3A_289 : i32
        %jit3A_291 = arith.constant 1 : i32
        %select_n3A_292 = arith.select %eq3A_290, %jit3A_291, %jit3A_288 : i32
        %rem3A_293 = arith.remsi %sub3A_287, %select_n3A_292 : i32
        %ne3A_294 = arith.constant 0 : i32
        %ne3A_295 = arith.cmpi ne, %rem3A_293, %ne3A_294 : i32
        %lt3A_296 = arith.constant 0 : i32
        %lt3A_297 = arith.cmpi slt, %rem3A_293, %lt3A_296 : i32
        %lt3A_298 = arith.constant 0 : i32
        %lt3A_299 = arith.cmpi slt, %select_n3A_292, %lt3A_298 : i32
        %ne3A_300 = arith.xori %lt3A_297, %lt3A_299 : i1
        %and3A_301 = arith.andi %ne3A_300, %ne3A_295 : i1
        %add3A_302 = arith.addi %rem3A_293, %select_n3A_292 : i32
        %select_n3A_303 = arith.select %and3A_301, %add3A_302, %rem3A_293 : i32
        %mul3A_304 = arith.constant 10 : i32
        %mul3A_305 = arith.muli %mul3A_304, %scan3A_178 : i32
        %sub3A_306 = arith.constant 199 : i32
        %sub3A_307 = arith.subi %sub3A_306, %mul3A_305 : i32
        %sub3A_308 = arith.constant 2 : i32
        %sub3A_309 = arith.subi %sub3A_307, %sub3A_308 : i32
        %get3A_310 = arith.index_cast %select_n3A_303 : i32 to index
        %get3A_311 = arith.constant 0 : index
        %get3A_312 = arith.constant 0 : index
        %get3A_313 = vector.load %arg22[%get3A_310, %get3A_311, %get3A_312] : memref<200x64x64xf32, #tpu.memory_space<vmem>>, vector<1x64x64xf32>
        %reshape3A_314 = vector.shape_cast %get3A_313 : vector<1x64x64xf32> to vector<64x64xf32>
        %mul3A_315 = vector.broadcast %broadcast_in_dim3A_269 : vector<1x64xf32> to vector<64x64xf32>
        %mul3A_316 = arith.mulf %reshape3A_314, %mul3A_315 : vector<64x64xf32>
        %reduce_sum3A_317 = arith.constant dense<0.000000e+00> : vector<64xf32>
        %reduce_sum3A_318 = vector.multi_reduction <add>, %mul3A_316, %reduce_sum3A_317 [1] : vector<64x64xf32> to vector<64xf32>
        %broadcast_in_dim3A_319 = vector.shape_cast %reduce_sum3A_318 : vector<64xf32> to vector<64x1xf32>
        %get3A_320 = arith.index_cast %sub3A_309 : i32 to index
        %get3A_321 = arith.constant 0 : index
        %get3A_322 = arith.constant 0 : index
        %get3A_323 = vector.load %arg21[%get3A_320, %get3A_321, %get3A_322] : memref<200x64x64xf32, #tpu.memory_space<vmem>>, vector<1x64x64xf32>
        %reshape3A_324 = vector.shape_cast %get3A_323 : vector<1x64x64xf32> to vector<64x64xf32>
        %mul3A_325 = vector.broadcast %broadcast_in_dim3A_279 : vector<1x64xf32> to vector<64x64xf32>
        %mul3A_326 = arith.mulf %reshape3A_324, %mul3A_325 : vector<64x64xf32>
        %reduce_sum3A_327 = arith.constant dense<0.000000e+00> : vector<64xf32>
        %reduce_sum3A_328 = vector.multi_reduction <add>, %mul3A_326, %reduce_sum3A_327 [1] : vector<64x64xf32> to vector<64xf32>
        %broadcast_in_dim3A_329 = vector.shape_cast %reduce_sum3A_328 : vector<64xf32> to vector<64x1xf32>
        %mul3A_330 = arith.constant 10 : i32
        %mul3A_331 = arith.muli %mul3A_330, %scan3A_178 : i32
        %add3A_332 = arith.constant 3 : i32
        %add3A_333 = arith.addi %mul3A_331, %add3A_332 : i32
        %add3A_334 = arith.constant 200 : i32
        %add3A_335 = arith.addi %add3A_333, %add3A_334 : i32
        %sub3A_336 = arith.constant 1 : i32
        %sub3A_337 = arith.subi %add3A_335, %sub3A_336 : i32
        %jit3A_338 = arith.constant 200 : i32
        %eq3A_339 = arith.constant 0 : i32
        %eq3A_340 = arith.cmpi eq, %jit3A_338, %eq3A_339 : i32
        %jit3A_341 = arith.constant 1 : i32
        %select_n3A_342 = arith.select %eq3A_340, %jit3A_341, %jit3A_338 : i32
        %rem3A_343 = arith.remsi %sub3A_337, %select_n3A_342 : i32
        %ne3A_344 = arith.constant 0 : i32
        %ne3A_345 = arith.cmpi ne, %rem3A_343, %ne3A_344 : i32
        %lt3A_346 = arith.constant 0 : i32
        %lt3A_347 = arith.cmpi slt, %rem3A_343, %lt3A_346 : i32
        %lt3A_348 = arith.constant 0 : i32
        %lt3A_349 = arith.cmpi slt, %select_n3A_342, %lt3A_348 : i32
        %ne3A_350 = arith.xori %lt3A_347, %lt3A_349 : i1
        %and3A_351 = arith.andi %ne3A_350, %ne3A_345 : i1
        %add3A_352 = arith.addi %rem3A_343, %select_n3A_342 : i32
        %select_n3A_353 = arith.select %and3A_351, %add3A_352, %rem3A_343 : i32
        %mul3A_354 = arith.constant 10 : i32
        %mul3A_355 = arith.muli %mul3A_354, %scan3A_178 : i32
        %sub3A_356 = arith.constant 199 : i32
        %sub3A_357 = arith.subi %sub3A_356, %mul3A_355 : i32
        %sub3A_358 = arith.constant 3 : i32
        %sub3A_359 = arith.subi %sub3A_357, %sub3A_358 : i32
        %get3A_360 = arith.index_cast %select_n3A_353 : i32 to index
        %get3A_361 = arith.constant 0 : index
        %get3A_362 = arith.constant 0 : index
        %get3A_363 = vector.load %arg21[%get3A_360, %get3A_361, %get3A_362] : memref<200x64x64xf32, #tpu.memory_space<vmem>>, vector<1x64x64xf32>
        %reshape3A_364 = vector.shape_cast %get3A_363 : vector<1x64x64xf32> to vector<64x64xf32>
        %mul3A_365 = vector.broadcast %broadcast_in_dim3A_319 : vector<64x1xf32> to vector<64x64xf32>
        %mul3A_366 = arith.mulf %reshape3A_364, %mul3A_365 : vector<64x64xf32>
        %reduce_sum3A_367 = arith.constant dense<0.000000e+00> : vector<64xf32>
        %reduce_sum3A_368 = vector.multi_reduction <add>, %mul3A_366, %reduce_sum3A_367 [0] : vector<64x64xf32> to vector<64xf32>
        %broadcast_in_dim3A_369 = vector.shape_cast %reduce_sum3A_368 : vector<64xf32> to vector<1x64xf32>
        %get3A_370 = arith.index_cast %sub3A_359 : i32 to index
        %get3A_371 = arith.constant 0 : index
        %get3A_372 = arith.constant 0 : index
        %get3A_373 = vector.load %arg22[%get3A_370, %get3A_371, %get3A_372] : memref<200x64x64xf32, #tpu.memory_space<vmem>>, vector<1x64x64xf32>
        %reshape3A_374 = vector.shape_cast %get3A_373 : vector<1x64x64xf32> to vector<64x64xf32>
        %mul3A_375 = vector.broadcast %broadcast_in_dim3A_329 : vector<64x1xf32> to vector<64x64xf32>
        %mul3A_376 = arith.mulf %reshape3A_374, %mul3A_375 : vector<64x64xf32>
        %reduce_sum3A_377 = arith.constant dense<0.000000e+00> : vector<64xf32>
        %reduce_sum3A_378 = vector.multi_reduction <add>, %mul3A_376, %reduce_sum3A_377 [0] : vector<64x64xf32> to vector<64xf32>
        %broadcast_in_dim3A_379 = vector.shape_cast %reduce_sum3A_378 : vector<64xf32> to vector<1x64xf32>
        %mul3A_380 = arith.constant 10 : i32
        %mul3A_381 = arith.muli %mul3A_380, %scan3A_178 : i32
        %add3A_382 = arith.constant 4 : i32
        %add3A_383 = arith.addi %mul3A_381, %add3A_382 : i32
        %add3A_384 = arith.constant 200 : i32
        %add3A_385 = arith.addi %add3A_383, %add3A_384 : i32
        %sub3A_386 = arith.constant 1 : i32
        %sub3A_387 = arith.subi %add3A_385, %sub3A_386 : i32
        %jit3A_388 = arith.constant 200 : i32
        %eq3A_389 = arith.constant 0 : i32
        %eq3A_390 = arith.cmpi eq, %jit3A_388, %eq3A_389 : i32
        %jit3A_391 = arith.constant 1 : i32
        %select_n3A_392 = arith.select %eq3A_390, %jit3A_391, %jit3A_388 : i32
        %rem3A_393 = arith.remsi %sub3A_387, %select_n3A_392 : i32
        %ne3A_394 = arith.constant 0 : i32
        %ne3A_395 = arith.cmpi ne, %rem3A_393, %ne3A_394 : i32
        %lt3A_396 = arith.constant 0 : i32
        %lt3A_397 = arith.cmpi slt, %rem3A_393, %lt3A_396 : i32
        %lt3A_398 = arith.constant 0 : i32
        %lt3A_399 = arith.cmpi slt, %select_n3A_392, %lt3A_398 : i32
        %ne3A_400 = arith.xori %lt3A_397, %lt3A_399 : i1
        %and3A_401 = arith.andi %ne3A_400, %ne3A_395 : i1
        %add3A_402 = arith.addi %rem3A_393, %select_n3A_392 : i32
        %select_n3A_403 = arith.select %and3A_401, %add3A_402, %rem3A_393 : i32
        %mul3A_404 = arith.constant 10 : i32
        %mul3A_405 = arith.muli %mul3A_404, %scan3A_178 : i32
        %sub3A_406 = arith.constant 199 : i32
        %sub3A_407 = arith.subi %sub3A_406, %mul3A_405 : i32
        %sub3A_408 = arith.constant 4 : i32
        %sub3A_409 = arith.subi %sub3A_407, %sub3A_408 : i32
        %get3A_410 = arith.index_cast %select_n3A_403 : i32 to index
        %get3A_411 = arith.constant 0 : index
        %get3A_412 = arith.constant 0 : index
        %get3A_413 = vector.load %arg22[%get3A_410, %get3A_411, %get3A_412] : memref<200x64x64xf32, #tpu.memory_space<vmem>>, vector<1x64x64xf32>
        %reshape3A_414 = vector.shape_cast %get3A_413 : vector<1x64x64xf32> to vector<64x64xf32>
        %mul3A_415 = vector.broadcast %broadcast_in_dim3A_369 : vector<1x64xf32> to vector<64x64xf32>
        %mul3A_416 = arith.mulf %reshape3A_414, %mul3A_415 : vector<64x64xf32>
        %reduce_sum3A_417 = arith.constant dense<0.000000e+00> : vector<64xf32>
        %reduce_sum3A_418 = vector.multi_reduction <add>, %mul3A_416, %reduce_sum3A_417 [1] : vector<64x64xf32> to vector<64xf32>
        %broadcast_in_dim3A_419 = vector.shape_cast %reduce_sum3A_418 : vector<64xf32> to vector<64x1xf32>
        %get3A_420 = arith.index_cast %sub3A_409 : i32 to index
        %get3A_421 = arith.constant 0 : index
        %get3A_422 = arith.constant 0 : index
        %get3A_423 = vector.load %arg21[%get3A_420, %get3A_421, %get3A_422] : memref<200x64x64xf32, #tpu.memory_space<vmem>>, vector<1x64x64xf32>
        %reshape3A_424 = vector.shape_cast %get3A_423 : vector<1x64x64xf32> to vector<64x64xf32>
        %mul3A_425 = vector.broadcast %broadcast_in_dim3A_379 : vector<1x64xf32> to vector<64x64xf32>
        %mul3A_426 = arith.mulf %reshape3A_424, %mul3A_425 : vector<64x64xf32>
        %reduce_sum3A_427 = arith.constant dense<0.000000e+00> : vector<64xf32>
        %reduce_sum3A_428 = vector.multi_reduction <add>, %mul3A_426, %reduce_sum3A_427 [1] : vector<64x64xf32> to vector<64xf32>
        %broadcast_in_dim3A_429 = vector.shape_cast %reduce_sum3A_428 : vector<64xf32> to vector<64x1xf32>
        %mul3A_430 = arith.constant 10 : i32
        %mul3A_431 = arith.muli %mul3A_430, %scan3A_178 : i32
        %add3A_432 = arith.constant 5 : i32
        %add3A_433 = arith.addi %mul3A_431, %add3A_432 : i32
        %add3A_434 = arith.constant 200 : i32
        %add3A_435 = arith.addi %add3A_433, %add3A_434 : i32
        %sub3A_436 = arith.constant 1 : i32
        %sub3A_437 = arith.subi %add3A_435, %sub3A_436 : i32
        %jit3A_438 = arith.constant 200 : i32
        %eq3A_439 = arith.constant 0 : i32
        %eq3A_440 = arith.cmpi eq, %jit3A_438, %eq3A_439 : i32
        %jit3A_441 = arith.constant 1 : i32
        %select_n3A_442 = arith.select %eq3A_440, %jit3A_441, %jit3A_438 : i32
        %rem3A_443 = arith.remsi %sub3A_437, %select_n3A_442 : i32
        %ne3A_444 = arith.constant 0 : i32
        %ne3A_445 = arith.cmpi ne, %rem3A_443, %ne3A_444 : i32
        %lt3A_446 = arith.constant 0 : i32
        %lt3A_447 = arith.cmpi slt, %rem3A_443, %lt3A_446 : i32
        %lt3A_448 = arith.constant 0 : i32
        %lt3A_449 = arith.cmpi slt, %select_n3A_442, %lt3A_448 : i32
        %ne3A_450 = arith.xori %lt3A_447, %lt3A_449 : i1
        %and3A_451 = arith.andi %ne3A_450, %ne3A_445 : i1
        %add3A_452 = arith.addi %rem3A_443, %select_n3A_442 : i32
        %select_n3A_453 = arith.select %and3A_451, %add3A_452, %rem3A_443 : i32
        %mul3A_454 = arith.constant 10 : i32
        %mul3A_455 = arith.muli %mul3A_454, %scan3A_178 : i32
        %sub3A_456 = arith.constant 199 : i32
        %sub3A_457 = arith.subi %sub3A_456, %mul3A_455 : i32
        %sub3A_458 = arith.constant 5 : i32
        %sub3A_459 = arith.subi %sub3A_457, %sub3A_458 : i32
        %get3A_460 = arith.index_cast %select_n3A_453 : i32 to index
        %get3A_461 = arith.constant 0 : index
        %get3A_462 = arith.constant 0 : index
        %get3A_463 = vector.load %arg21[%get3A_460, %get3A_461, %get3A_462] : memref<200x64x64xf32, #tpu.memory_space<vmem>>, vector<1x64x64xf32>
        %reshape3A_464 = vector.shape_cast %get3A_463 : vector<1x64x64xf32> to vector<64x64xf32>
        %mul3A_465 = vector.broadcast %broadcast_in_dim3A_419 : vector<64x1xf32> to vector<64x64xf32>
        %mul3A_466 = arith.mulf %reshape3A_464, %mul3A_465 : vector<64x64xf32>
        %reduce_sum3A_467 = arith.constant dense<0.000000e+00> : vector<64xf32>
        %reduce_sum3A_468 = vector.multi_reduction <add>, %mul3A_466, %reduce_sum3A_467 [0] : vector<64x64xf32> to vector<64xf32>
        %broadcast_in_dim3A_469 = vector.shape_cast %reduce_sum3A_468 : vector<64xf32> to vector<1x64xf32>
        %get3A_470 = arith.index_cast %sub3A_459 : i32 to index
        %get3A_471 = arith.constant 0 : index
        %get3A_472 = arith.constant 0 : index
        %get3A_473 = vector.load %arg22[%get3A_470, %get3A_471, %get3A_472] : memref<200x64x64xf32, #tpu.memory_space<vmem>>, vector<1x64x64xf32>
        %reshape3A_474 = vector.shape_cast %get3A_473 : vector<1x64x64xf32> to vector<64x64xf32>
        %mul3A_475 = vector.broadcast %broadcast_in_dim3A_429 : vector<64x1xf32> to vector<64x64xf32>
        %mul3A_476 = arith.mulf %reshape3A_474, %mul3A_475 : vector<64x64xf32>
        %reduce_sum3A_477 = arith.constant dense<0.000000e+00> : vector<64xf32>
        %reduce_sum3A_478 = vector.multi_reduction <add>, %mul3A_476, %reduce_sum3A_477 [0] : vector<64x64xf32> to vector<64xf32>
        %broadcast_in_dim3A_479 = vector.shape_cast %reduce_sum3A_478 : vector<64xf32> to vector<1x64xf32>
        %mul3A_480 = arith.constant 10 : i32
        %mul3A_481 = arith.muli %mul3A_480, %scan3A_178 : i32
        %add3A_482 = arith.constant 6 : i32
        %add3A_483 = arith.addi %mul3A_481, %add3A_482 : i32
        %add3A_484 = arith.constant 200 : i32
        %add3A_485 = arith.addi %add3A_483, %add3A_484 : i32
        %sub3A_486 = arith.constant 1 : i32
        %sub3A_487 = arith.subi %add3A_485, %sub3A_486 : i32
        %jit3A_488 = arith.constant 200 : i32
        %eq3A_489 = arith.constant 0 : i32
        %eq3A_490 = arith.cmpi eq, %jit3A_488, %eq3A_489 : i32
        %jit3A_491 = arith.constant 1 : i32
        %select_n3A_492 = arith.select %eq3A_490, %jit3A_491, %jit3A_488 : i32
        %rem3A_493 = arith.remsi %sub3A_487, %select_n3A_492 : i32
        %ne3A_494 = arith.constant 0 : i32
        %ne3A_495 = arith.cmpi ne, %rem3A_493, %ne3A_494 : i32
        %lt3A_496 = arith.constant 0 : i32
        %lt3A_497 = arith.cmpi slt, %rem3A_493, %lt3A_496 : i32
        %lt3A_498 = arith.constant 0 : i32
        %lt3A_499 = arith.cmpi slt, %select_n3A_492, %lt3A_498 : i32
        %ne3A_500 = arith.xori %lt3A_497, %lt3A_499 : i1
        %and3A_501 = arith.andi %ne3A_500, %ne3A_495 : i1
        %add3A_502 = arith.addi %rem3A_493, %select_n3A_492 : i32
        %select_n3A_503 = arith.select %and3A_501, %add3A_502, %rem3A_493 : i32
        %mul3A_504 = arith.constant 10 : i32
        %mul3A_505 = arith.muli %mul3A_504, %scan3A_178 : i32
        %sub3A_506 = arith.constant 199 : i32
        %sub3A_507 = arith.subi %sub3A_506, %mul3A_505 : i32
        %sub3A_508 = arith.constant 6 : i32
        %sub3A_509 = arith.subi %sub3A_507, %sub3A_508 : i32
        %get3A_510 = arith.index_cast %select_n3A_503 : i32 to index
        %get3A_511 = arith.constant 0 : index
        %get3A_512 = arith.constant 0 : index
        %get3A_513 = vector.load %arg22[%get3A_510, %get3A_511, %get3A_512] : memref<200x64x64xf32, #tpu.memory_space<vmem>>, vector<1x64x64xf32>
        %reshape3A_514 = vector.shape_cast %get3A_513 : vector<1x64x64xf32> to vector<64x64xf32>
        %mul3A_515 = vector.broadcast %broadcast_in_dim3A_469 : vector<1x64xf32> to vector<64x64xf32>
        %mul3A_516 = arith.mulf %reshape3A_514, %mul3A_515 : vector<64x64xf32>
        %reduce_sum3A_517 = arith.constant dense<0.000000e+00> : vector<64xf32>
        %reduce_sum3A_518 = vector.multi_reduction <add>, %mul3A_516, %reduce_sum3A_517 [1] : vector<64x64xf32> to vector<64xf32>
        %broadcast_in_dim3A_519 = vector.shape_cast %reduce_sum3A_518 : vector<64xf32> to vector<64x1xf32>
        %get3A_520 = arith.index_cast %sub3A_509 : i32 to index
        %get3A_521 = arith.constant 0 : index
        %get3A_522 = arith.constant 0 : index
        %get3A_523 = vector.load %arg21[%get3A_520, %get3A_521, %get3A_522] : memref<200x64x64xf32, #tpu.memory_space<vmem>>, vector<1x64x64xf32>
        %reshape3A_524 = vector.shape_cast %get3A_523 : vector<1x64x64xf32> to vector<64x64xf32>
        %mul3A_525 = vector.broadcast %broadcast_in_dim3A_479 : vector<1x64xf32> to vector<64x64xf32>
        %mul3A_526 = arith.mulf %reshape3A_524, %mul3A_525 : vector<64x64xf32>
        %reduce_sum3A_527 = arith.constant dense<0.000000e+00> : vector<64xf32>
        %reduce_sum3A_528 = vector.multi_reduction <add>, %mul3A_526, %reduce_sum3A_527 [1] : vector<64x64xf32> to vector<64xf32>
        %broadcast_in_dim3A_529 = vector.shape_cast %reduce_sum3A_528 : vector<64xf32> to vector<64x1xf32>
        %mul3A_530 = arith.constant 10 : i32
        %mul3A_531 = arith.muli %mul3A_530, %scan3A_178 : i32
        %add3A_532 = arith.constant 7 : i32
        %add3A_533 = arith.addi %mul3A_531, %add3A_532 : i32
        %add3A_534 = arith.constant 200 : i32
        %add3A_535 = arith.addi %add3A_533, %add3A_534 : i32
        %sub3A_536 = arith.constant 1 : i32
        %sub3A_537 = arith.subi %add3A_535, %sub3A_536 : i32
        %jit3A_538 = arith.constant 200 : i32
        %eq3A_539 = arith.constant 0 : i32
        %eq3A_540 = arith.cmpi eq, %jit3A_538, %eq3A_539 : i32
        %jit3A_541 = arith.constant 1 : i32
        %select_n3A_542 = arith.select %eq3A_540, %jit3A_541, %jit3A_538 : i32
        %rem3A_543 = arith.remsi %sub3A_537, %select_n3A_542 : i32
        %ne3A_544 = arith.constant 0 : i32
        %ne3A_545 = arith.cmpi ne, %rem3A_543, %ne3A_544 : i32
        %lt3A_546 = arith.constant 0 : i32
        %lt3A_547 = arith.cmpi slt, %rem3A_543, %lt3A_546 : i32
        %lt3A_548 = arith.constant 0 : i32
        %lt3A_549 = arith.cmpi slt, %select_n3A_542, %lt3A_548 : i32
        %ne3A_550 = arith.xori %lt3A_547, %lt3A_549 : i1
        %and3A_551 = arith.andi %ne3A_550, %ne3A_545 : i1
        %add3A_552 = arith.addi %rem3A_543, %select_n3A_542 : i32
        %select_n3A_553 = arith.select %and3A_551, %add3A_552, %rem3A_543 : i32
        %mul3A_554 = arith.constant 10 : i32
        %mul3A_555 = arith.muli %mul3A_554, %scan3A_178 : i32
        %sub3A_556 = arith.constant 199 : i32
        %sub3A_557 = arith.subi %sub3A_556, %mul3A_555 : i32
        %sub3A_558 = arith.constant 7 : i32
        %sub3A_559 = arith.subi %sub3A_557, %sub3A_558 : i32
        %get3A_560 = arith.index_cast %select_n3A_553 : i32 to index
        %get3A_561 = arith.constant 0 : index
        %get3A_562 = arith.constant 0 : index
        %get3A_563 = vector.load %arg21[%get3A_560, %get3A_561, %get3A_562] : memref<200x64x64xf32, #tpu.memory_space<vmem>>, vector<1x64x64xf32>
        %reshape3A_564 = vector.shape_cast %get3A_563 : vector<1x64x64xf32> to vector<64x64xf32>
        %mul3A_565 = vector.broadcast %broadcast_in_dim3A_519 : vector<64x1xf32> to vector<64x64xf32>
        %mul3A_566 = arith.mulf %reshape3A_564, %mul3A_565 : vector<64x64xf32>
        %reduce_sum3A_567 = arith.constant dense<0.000000e+00> : vector<64xf32>
        %reduce_sum3A_568 = vector.multi_reduction <add>, %mul3A_566, %reduce_sum3A_567 [0] : vector<64x64xf32> to vector<64xf32>
        %broadcast_in_dim3A_569 = vector.shape_cast %reduce_sum3A_568 : vector<64xf32> to vector<1x64xf32>
        %get3A_570 = arith.index_cast %sub3A_559 : i32 to index
        %get3A_571 = arith.constant 0 : index
        %get3A_572 = arith.constant 0 : index
        %get3A_573 = vector.load %arg22[%get3A_570, %get3A_571, %get3A_572] : memref<200x64x64xf32, #tpu.memory_space<vmem>>, vector<1x64x64xf32>
        %reshape3A_574 = vector.shape_cast %get3A_573 : vector<1x64x64xf32> to vector<64x64xf32>
        %mul3A_575 = vector.broadcast %broadcast_in_dim3A_529 : vector<64x1xf32> to vector<64x64xf32>
        %mul3A_576 = arith.mulf %reshape3A_574, %mul3A_575 : vector<64x64xf32>
        %reduce_sum3A_577 = arith.constant dense<0.000000e+00> : vector<64xf32>
        %reduce_sum3A_578 = vector.multi_reduction <add>, %mul3A_576, %reduce_sum3A_577 [0] : vector<64x64xf32> to vector<64xf32>
        %broadcast_in_dim3A_579 = vector.shape_cast %reduce_sum3A_578 : vector<64xf32> to vector<1x64xf32>
        %mul3A_580 = arith.constant 10 : i32
        %mul3A_581 = arith.muli %mul3A_580, %scan3A_178 : i32
        %add3A_582 = arith.constant 8 : i32
        %add3A_583 = arith.addi %mul3A_581, %add3A_582 : i32
        %add3A_584 = arith.constant 200 : i32
        %add3A_585 = arith.addi %add3A_583, %add3A_584 : i32
        %sub3A_586 = arith.constant 1 : i32
        %sub3A_587 = arith.subi %add3A_585, %sub3A_586 : i32
        %jit3A_588 = arith.constant 200 : i32
        %eq3A_589 = arith.constant 0 : i32
        %eq3A_590 = arith.cmpi eq, %jit3A_588, %eq3A_589 : i32
        %jit3A_591 = arith.constant 1 : i32
        %select_n3A_592 = arith.select %eq3A_590, %jit3A_591, %jit3A_588 : i32
        %rem3A_593 = arith.remsi %sub3A_587, %select_n3A_592 : i32
        %ne3A_594 = arith.constant 0 : i32
        %ne3A_595 = arith.cmpi ne, %rem3A_593, %ne3A_594 : i32
        %lt3A_596 = arith.constant 0 : i32
        %lt3A_597 = arith.cmpi slt, %rem3A_593, %lt3A_596 : i32
        %lt3A_598 = arith.constant 0 : i32
        %lt3A_599 = arith.cmpi slt, %select_n3A_592, %lt3A_598 : i32
        %ne3A_600 = arith.xori %lt3A_597, %lt3A_599 : i1
        %and3A_601 = arith.andi %ne3A_600, %ne3A_595 : i1
        %add3A_602 = arith.addi %rem3A_593, %select_n3A_592 : i32
        %select_n3A_603 = arith.select %and3A_601, %add3A_602, %rem3A_593 : i32
        %mul3A_604 = arith.constant 10 : i32
        %mul3A_605 = arith.muli %mul3A_604, %scan3A_178 : i32
        %sub3A_606 = arith.constant 199 : i32
        %sub3A_607 = arith.subi %sub3A_606, %mul3A_605 : i32
        %sub3A_608 = arith.constant 8 : i32
        %sub3A_609 = arith.subi %sub3A_607, %sub3A_608 : i32
        %get3A_610 = arith.index_cast %select_n3A_603 : i32 to index
        %get3A_611 = arith.constant 0 : index
        %get3A_612 = arith.constant 0 : index
        %get3A_613 = vector.load %arg22[%get3A_610, %get3A_611, %get3A_612] : memref<200x64x64xf32, #tpu.memory_space<vmem>>, vector<1x64x64xf32>
        %reshape3A_614 = vector.shape_cast %get3A_613 : vector<1x64x64xf32> to vector<64x64xf32>
        %mul3A_615 = vector.broadcast %broadcast_in_dim3A_569 : vector<1x64xf32> to vector<64x64xf32>
        %mul3A_616 = arith.mulf %reshape3A_614, %mul3A_615 : vector<64x64xf32>
        %reduce_sum3A_617 = arith.constant dense<0.000000e+00> : vector<64xf32>
        %reduce_sum3A_618 = vector.multi_reduction <add>, %mul3A_616, %reduce_sum3A_617 [1] : vector<64x64xf32> to vector<64xf32>
        %broadcast_in_dim3A_619 = vector.shape_cast %reduce_sum3A_618 : vector<64xf32> to vector<64x1xf32>
        %get3A_620 = arith.index_cast %sub3A_609 : i32 to index
        %get3A_621 = arith.constant 0 : index
        %get3A_622 = arith.constant 0 : index
        %get3A_623 = vector.load %arg21[%get3A_620, %get3A_621, %get3A_622] : memref<200x64x64xf32, #tpu.memory_space<vmem>>, vector<1x64x64xf32>
        %reshape3A_624 = vector.shape_cast %get3A_623 : vector<1x64x64xf32> to vector<64x64xf32>
        %mul3A_625 = vector.broadcast %broadcast_in_dim3A_579 : vector<1x64xf32> to vector<64x64xf32>
        %mul3A_626 = arith.mulf %reshape3A_624, %mul3A_625 : vector<64x64xf32>
        %reduce_sum3A_627 = arith.constant dense<0.000000e+00> : vector<64xf32>
        %reduce_sum3A_628 = vector.multi_reduction <add>, %mul3A_626, %reduce_sum3A_627 [1] : vector<64x64xf32> to vector<64xf32>
        %broadcast_in_dim3A_629 = vector.shape_cast %reduce_sum3A_628 : vector<64xf32> to vector<64x1xf32>
        %mul3A_630 = arith.constant 10 : i32
        %mul3A_631 = arith.muli %mul3A_630, %scan3A_178 : i32
        %add3A_632 = arith.constant 9 : i32
        %add3A_633 = arith.addi %mul3A_631, %add3A_632 : i32
        %add3A_634 = arith.constant 200 : i32
        %add3A_635 = arith.addi %add3A_633, %add3A_634 : i32
        %sub3A_636 = arith.constant 1 : i32
        %sub3A_637 = arith.subi %add3A_635, %sub3A_636 : i32
        %jit3A_638 = arith.constant 200 : i32
        %eq3A_639 = arith.constant 0 : i32
        %eq3A_640 = arith.cmpi eq, %jit3A_638, %eq3A_639 : i32
        %jit3A_641 = arith.constant 1 : i32
        %select_n3A_642 = arith.select %eq3A_640, %jit3A_641, %jit3A_638 : i32
        %rem3A_643 = arith.remsi %sub3A_637, %select_n3A_642 : i32
        %ne3A_644 = arith.constant 0 : i32
        %ne3A_645 = arith.cmpi ne, %rem3A_643, %ne3A_644 : i32
        %lt3A_646 = arith.constant 0 : i32
        %lt3A_647 = arith.cmpi slt, %rem3A_643, %lt3A_646 : i32
        %lt3A_648 = arith.constant 0 : i32
        %lt3A_649 = arith.cmpi slt, %select_n3A_642, %lt3A_648 : i32
        %ne3A_650 = arith.xori %lt3A_647, %lt3A_649 : i1
        %and3A_651 = arith.andi %ne3A_650, %ne3A_645 : i1
        %add3A_652 = arith.addi %rem3A_643, %select_n3A_642 : i32
        %select_n3A_653 = arith.select %and3A_651, %add3A_652, %rem3A_643 : i32
        %mul3A_654 = arith.constant 10 : i32
        %mul3A_655 = arith.muli %mul3A_654, %scan3A_178 : i32
        %sub3A_656 = arith.constant 199 : i32
        %sub3A_657 = arith.subi %sub3A_656, %mul3A_655 : i32
        %sub3A_658 = arith.constant 9 : i32
        %sub3A_659 = arith.subi %sub3A_657, %sub3A_658 : i32
        %get3A_660 = arith.index_cast %select_n3A_653 : i32 to index
        %get3A_661 = arith.constant 0 : index
        %get3A_662 = arith.constant 0 : index
        %get3A_663 = vector.load %arg21[%get3A_660, %get3A_661, %get3A_662] : memref<200x64x64xf32, #tpu.memory_space<vmem>>, vector<1x64x64xf32>
        %reshape3A_664 = vector.shape_cast %get3A_663 : vector<1x64x64xf32> to vector<64x64xf32>
        %mul3A_665 = vector.broadcast %broadcast_in_dim3A_619 : vector<64x1xf32> to vector<64x64xf32>
        %mul3A_666 = arith.mulf %reshape3A_664, %mul3A_665 : vector<64x64xf32>
        %reduce_sum3A_667 = arith.constant dense<0.000000e+00> : vector<64xf32>
        %reduce_sum3A_668 = vector.multi_reduction <add>, %mul3A_666, %reduce_sum3A_667 [0] : vector<64x64xf32> to vector<64xf32>
        %broadcast_in_dim3A_669 = vector.shape_cast %reduce_sum3A_668 : vector<64xf32> to vector<1x64xf32>
        %get3A_670 = arith.index_cast %sub3A_659 : i32 to index
        %get3A_671 = arith.constant 0 : index
        %get3A_672 = arith.constant 0 : index
        %get3A_673 = vector.load %arg22[%get3A_670, %get3A_671, %get3A_672] : memref<200x64x64xf32, #tpu.memory_space<vmem>>, vector<1x64x64xf32>
        %reshape3A_674 = vector.shape_cast %get3A_673 : vector<1x64x64xf32> to vector<64x64xf32>
        %mul3A_675 = vector.broadcast %broadcast_in_dim3A_629 : vector<64x1xf32> to vector<64x64xf32>
        %mul3A_676 = arith.mulf %reshape3A_674, %mul3A_675 : vector<64x64xf32>
        %reduce_sum3A_677 = arith.constant dense<0.000000e+00> : vector<64xf32>
        %reduce_sum3A_678 = vector.multi_reduction <add>, %mul3A_676, %reduce_sum3A_677 [0] : vector<64x64xf32> to vector<64xf32>
        %broadcast_in_dim3A_679 = vector.shape_cast %reduce_sum3A_678 : vector<64xf32> to vector<1x64xf32>
        %reduce_max3A = arith.constant dense<0xFF800000> : vector<1xf32>
        %reduce_max3A_680 = vector.multi_reduction <maximumf>, %broadcast_in_dim3A_669, %reduce_max3A [1] : vector<1x64xf32> to vector<1xf32>
        %broadcast_in_dim3A_681 = vector.shape_cast %reduce_max3A_680 : vector<1xf32> to vector<1x1xf32>
        %reduce_max3A_682 = arith.constant dense<0xFF800000> : vector<1xf32>
        %reduce_max3A_683 = vector.multi_reduction <maximumf>, %broadcast_in_dim3A_679, %reduce_max3A_682 [1] : vector<1x64xf32> to vector<1xf32>
        %broadcast_in_dim3A_684 = vector.shape_cast %reduce_max3A_683 : vector<1xf32> to vector<1x1xf32>
        %div3A = vector.broadcast %broadcast_in_dim3A_681 : vector<1x1xf32> to vector<1x64xf32>
        %div3A_685 = arith.divf %broadcast_in_dim3A_669, %div3A : vector<1x64xf32>
        %div3A_686 = vector.broadcast %broadcast_in_dim3A_684 : vector<1x1xf32> to vector<1x64xf32>
        %div3A_687 = arith.divf %broadcast_in_dim3A_679, %div3A_686 : vector<1x64xf32>
        %log3A_688 = math.log %broadcast_in_dim3A_681 : vector<1x1xf32>
        %add3A_689 = arith.addf %scan3A_181, %log3A_688 : vector<1x1xf32>
        %log3A_690 = math.log %broadcast_in_dim3A_684 : vector<1x1xf32>
        %add3A_691 = arith.addf %scan3A_182, %log3A_690 : vector<1x1xf32>
        scf.yield %div3A_685, %div3A_687, %add3A_689, %add3A_691 : vector<1x64xf32>, vector<1x64xf32>, vector<1x1xf32>, vector<1x1xf32>
      }
      %scan3A_155 = arith.constant 10 : i32
      %get3A_156 = arith.constant 99 : index
      %get3A_157 = arith.constant 0 : index
      %get3A_158 = arith.constant 0 : index
      %get3A_159 = vector.load %arg21[%get3A_156, %get3A_157, %get3A_158] : memref<200x64x64xf32, #tpu.memory_space<vmem>>, vector<1x64x64xf32>
      %reshape3A_160 = vector.shape_cast %get3A_159 : vector<1x64x64xf32> to vector<64x64xf32>
      %mul3A_161 = vector.broadcast %scan3A_154#1 : vector<1x64xf32> to vector<64x64xf32>
      %mul3A_162 = arith.mulf %reshape3A_160, %mul3A_161 : vector<64x64xf32>
      %reduce_sum3A_163 = arith.constant dense<0.000000e+00> : vector<64xf32>
      %reduce_sum3A_164 = vector.multi_reduction <add>, %mul3A_162, %reduce_sum3A_163 [1] : vector<64x64xf32> to vector<64xf32>
      %broadcast_in_dim3A_165 = vector.shape_cast %reduce_sum3A_164 : vector<64xf32> to vector<64x1xf32>
      %reshape3A_166 = vector.shape_cast %broadcast_in_dim3A_165 : vector<64x1xf32> to vector<1x64xf32>
      %mul3A_167 = arith.mulf %scan3A_154#0, %reshape3A_166 : vector<1x64xf32>
      %reduce_sum3A_168 = arith.constant dense<0.000000e+00> : vector<1xf32>
      %reduce_sum3A_169 = vector.multi_reduction <add>, %mul3A_167, %reduce_sum3A_168 [1] : vector<1x64xf32> to vector<1xf32>
      %broadcast_in_dim3A_170 = vector.shape_cast %reduce_sum3A_169 : vector<1xf32> to vector<1x1xf32>
      %log3A = math.log %broadcast_in_dim3A_170 : vector<1x1xf32>
      %add3A_171 = arith.addf %log3A, %scan3A_154#2 : vector<1x1xf32>
      %add3A_172 = arith.addf %add3A_171, %scan3A_154#3 : vector<1x1xf32>
      %sub3A = arith.subf %add3A_172, %add3A_130 : vector<1x1xf32>
      %broadcast_in_dim3A_173 = vector.shape_cast %sub3A : vector<1x1xf32> to vector<1x1xf32>
      %broadcast_in_dim3A_174 = vector.broadcast %broadcast_in_dim3A_173 : vector<1x1xf32> to vector<1x128xf32>
      %swap3A_175 = arith.constant 0 : index
      %swap3A_176 = arith.constant 0 : index
      %swap3A_177 = vector.load %arg12[%swap3A_175, %swap3A_176] : memref<1x128xf32, #tpu.memory_space<vmem>>, vector<1x128xf32>
      tpu.vector_store %arg12[%swap3A_175, %swap3A_176], %broadcast_in_dim3A_174 {strides = array<i32>} : memref<1x128xf32, #tpu.memory_space<vmem>>, vector<1x128xf32>,
    } else {
    }
    return
  }
  func.func @transform_0(%arg0: i32) -> (i32, i32) {
    %c0_i32 = arith.constant 0 : i32
    %c0_i32_0 = arith.constant 0 : i32
    %c0_i32_1 = arith.constant 0 : i32
    return %c0_i32, %c0_i32_0 : i32, i32
  }
  func.func @transform_1(%arg0: i32) -> (i32, i32) {
    %c0_i32 = arith.constant 0 : i32
    %c0_i32_0 = arith.constant 0 : i32
    %c0_i32_1 = arith.constant 0 : i32
    return %c0_i32, %c0_i32_0 : i32, i32
  }
  func.func @transform_2(%arg0: i32) -> i32 {
    %c0_i32 = arith.constant 0 : i32
    %c0_i32_0 = arith.constant 0 : i32
    return %c0_i32 : i32
  }
  func.func @transform_3(%arg0: i32) -> i32 {
    %c0_i32 = arith.constant 0 : i32
    %c0_i32_0 = arith.constant 0 : i32
    return %c0_i32 : i32
  }
  func.func @transform_4(%arg0: i32) -> i32 {
    %c0_i32 = arith.constant 0 : i32
    %c0_i32_0 = arith.constant 0 : i32
    return %c0_i32 : i32
  }
  func.func @transform_5(%arg0: i32) -> i32 {
    %c0_i32 = arith.constant 0 : i32
    %c0_i32_0 = arith.constant 0 : i32
    return %c0_i32 : i32
  }
  func.func @transform_6(%arg0: i32) -> i32 {
    %c0_i32 = arith.constant 0 : i32
    %c0_i32_0 = arith.constant 0 : i32
    return %c0_i32 : i32
  }
  func.func @transform_7(%arg0: i32) -> i32 {
    %c0_i32 = arith.constant 0 : i32
    %c0_i32_0 = arith.constant 0 : i32
    return %c0_i32 : i32
  }
  func.func @transform_8(%arg0: i32) -> (i32, i32) {
    %c0_i32 = arith.constant 0 : i32
    %c0_i32_0 = arith.constant 0 : i32
    return %arg0, %c0_i32 : i32, i32
  }
  func.func @transform_9(%arg0: i32) -> (i32, i32) {
    %add3A = arith.constant 4 : i32
    %add3A_0 = arith.addi %add3A, %arg0 : i32
    %c0_i32 = arith.constant 0 : i32
    %c0_i32_1 = arith.constant 0 : i32
    return %add3A_0, %c0_i32 : i32, i32
  }
  func.func @transform_10(%arg0: i32) -> (i32, i32) {
    %add3A = arith.constant 2 : i32
    %add3A_0 = arith.addi %add3A, %arg0 : i32
    %c0_i32 = arith.constant 0 : i32
    %c0_i32_1 = arith.constant 0 : i32
    return %add3A_0, %c0_i32 : i32, i32
  }
  func.func @transform_11(%arg0: i32) -> (i32, i32) {
    %c0_i32 = arith.constant 0 : i32
    %c0_i32_0 = arith.constant 0 : i32
    %c0_i32_1 = arith.constant 0 : i32
    return %c0_i32, %c0_i32_0 : i32, i32
  }
}

</mosaic_0001>

<sc_bundles>
// kernel: kernel.4.cloned.1.call-start
scs
__scs_entry_jumppad:
0x0: {  	(pc) =	sbr.rel $0x88, $3  }
0x1: {  	(tag) =	ssettag $0x0;
	lr =	simm.s32 $0x1  }
0x2: {  	[smem:$0x3F95] =	sst lr;
	_ =	strace $0xD0000000  }
0x3: {  	_ = 	snop  }
0x4: {  	_ = 	snop  }
0x5: {  	_ = 	snop  }
0x6: {  	_ = 	snop  }
0x7: {  	_ = 	snop  }
__scs_overlays_trampoline_lowered:
0x8: {  	[smem:$0x3FA4] =	sst s0  }
0x9: {  	[smem:$0x3FA5] =	sst s1  }
0xa: {  	[smem:$0x3FA6] =	sst s2  }
0xb: {  	[smem:$0x3FA7] =	sst s3  }
0xc: {  	[smem:$0x3FA8] =	sst s4  }
0xd: {  	[smem:$0x3FA9] =	sst s5  }
0xe: {  	[smem:$0x3FAA] =	sst s6  }
0xf: {  	[smem:$0x3FAB] =	sst s7  }
0x10: {  	[smem:$0x3FAC] =	sst s8  }
0x11: {  	[smem:$0x3FAD] =	sst s9;
	s0 =	simm.s32 @!p0 $0x0  }
0x12: {  	s1 =	sld [smem:$0x3F93];
	s0 =	simm.s32 @p0 $0x1  }
0x13: {  	[smem:$0x3FAE] =	sst s0;
	s0 =	simm.s32 @!p1 $0x0  }
0x14: {  	s2 =	sld [smem:$0x3F92];
	s0 =	simm.s32 @p1 $0x1  }
0x15: {  	[smem:$0x3FAF] =	sst s0;
	s0 =	simm.s32 @!p2 $0x0  }
0x16: {  	s3 =	sld [smem:$0x3FDB];
	s0 =	simm.s32 @p2 $0x1  }
0x17: {  	s4 =	simm.s32 $0x1BF5;
	[smem:$0x3FB1] =	sst s0  }
0x18: {  	s0 =	sld [smem:$0x3F94];
	_ =	swait.ge [sflag:s4], $0x0  }
0x19: {  	s7 =	sld [smem:$0x3F95]  }
0x1a: {  	s8 =	sadd.s32 $0xFFFFE003, lr  }
0x1b: {  	s9 =	sadd.s32 $0xFFFFFEF7, lr;
	s5 =	simm.s32 $0xFFFFFFFF;
	p2 =	slt.u32 s8, $0xFFFFF086  }
0x1c: {  	p1 =	slt.u32 s9, $0xF7A;
	s5 =	simm.s32 @!p2 $0x0  }
0x1d: {  	s5 =	simm.s32 @p1 $0x1;
	p0 =	seq.s32 s7, s2  }
0x1e: {  	s7 =	smul.u32 @!p0 $0xF7A, s2;
	p2 =	seq.s32 @!p0 s5, $0x0  }
0x1f: {  	s9 =	smul.u32 $0xF7A, s1;
	s8 =	simm.s32 @!p0 $0x1BF5;
	p2 =	por !p2, p0  }
0x20: {  	[sflag:s8] =	ssyncset.s32 @!p0 $0xFFFFF086;
	s6 =	sadd.s32 @!p0 s3, s7;
	s7 =	simm.s32 @!p0 $0x108  }
0x21: {  	s3 =	sadd.s32 s3, s9;
	s6 =	sadd.s32 @!p0 $0x88, s6;
	s7 =	simm.s32 @p2 $0x1082  }
0x22: {  	[simem:s7], [sflag:s8] =	dma.local @!p0 [hbm:s6], $0xF7A  }
0x23: {  	s9 =	sor.u32 $0xD0000000, s2;
	s6 =	simm.s32 $0x108;
	_ =	swait.ge @!p0 [sflag:s8], $0x0  }
0x24: {  	s3 =	sadd.s32 $0x88, s3;
	s6 =	simm.s32 @!p1 $0x1082;
	[sflag:s4] =	ssyncset.s32 $0xFFFFF086  }
0x25: {  	[simem:s6], [sflag:s4] =	dma.local [hbm:s3], $0xF7A  }
0x26: {  	[smem:$0x3F95] =	sst s1;
	(tag) =	ssettag s2;
	_ =	strace s9  }
0x27: {  	s1 =	sld [smem:$0x3FA5]  }
0x28: {  	s2 =	sld [smem:$0x3FA6]  }
0x29: {  	s4 =	sld [smem:$0x3FA8]  }
0x2a: {  	p0 =	seq.s32 s5, $0x0;
	s5 =	sld [smem:$0x3FA9]  }
0x2b: {  	s6 =	sld [smem:$0x3FAA]  }
0x2c: {  	s7 =	sld [smem:$0x3FAB]  }
0x2d: {  	s3 =	simm.s32 $0x108;
	s8 =	sld [smem:$0x3FAC]  }
0x2e: {  	s3 =	simm.s32 @!p0 $0x1082;
	s9 =	sld [smem:$0x3FAD]  }
0x2f: {  	lr =	sadd.s32 s0, s3;
	s0 =	sld [smem:$0x3FA4]  }
0x30: {  	s3 =	sld [smem:$0x3FA7]  }
0x31: {  	[smem:$0x3FB0] =	sst s10  }
0x32: {  	s10 =	sld [smem:$0x3FAE];
	_ =	sdelay $0x3  }
0x33: {  	p0 =	seq.s32 s10, $0x1;
	s10 =	sld [smem:$0x3FB0];
	_ =	sdelay $0x3  }
0x34: {  	[smem:$0x3FB0] =	sst s10  }
0x35: {  	s10 =	sld [smem:$0x3FAF];
	_ =	sdelay $0x3  }
0x36: {  	p1 =	seq.s32 s10, $0x1;
	s10 =	sld [smem:$0x3FB0];
	_ =	sdelay $0x3  }
0x37: {  	[smem:$0x3FB0] =	sst s10  }
0x38: {  	s10 =	sld [smem:$0x3FB1]  }
0x39: {  	_ = 	snop;
	(pc) =	sbr.ind lr, $3  }
0x3a: {  	_ = 	snop  }
0x3b: {  	_ = 	snop  }
0x3c: {  	p2 =	seq.s32 s10, $0x1;
	s10 =	sld [smem:$0x3FB0]  }
0x3d: {  	_ =	shalt  }
0x3e: {  	_ =	shalt  }
0x3f: {  	_ =	shalt  }
0x40: {  	_ =	shalt  }
0x41: {  	_ =	shalt  }
0x42: {  	_ =	shalt  }
0x43: {  	_ =	shalt  }
0x44: {  	_ =	shalt  }
0x45: {  	_ =	shalt  }
0x46: {  	_ =	shalt  }
0x47: {  	_ =	shalt  }
0x48: {  	_ =	shalt  }
0x49: {  	_ =	shalt  }
0x4a: {  	_ =	shalt  }
0x4b: {  	_ =	shalt  }
0x4c: {  	_ =	shalt  }
0x4d: {  	_ =	shalt  }
0x4e: {  	_ =	shalt  }
0x4f: {  	_ =	shalt  }
0x50: {  	_ =	shalt  }
0x51: {  	_ =	shalt  }
0x52: {  	_ =	shalt  }
0x53: {  	_ =	shalt  }
0x54: {  	_ =	shalt  }
0x55: {  	_ =	shalt  }
0x56: {  	_ =	shalt  }
0x57: {  	_ =	shalt  }
0x58: {  	_ =	shalt  }
0x59: {  	_ =	shalt  }
0x5a: {  	_ =	shalt  }
0x5b: {  	_ =	shalt  }
0x5c: {  	_ =	shalt  }
0x5d: {  	_ =	shalt  }
0x5e: {  	_ =	shalt  }
0x5f: {  	_ =	shalt  }
0x60: {  	_ =	shalt  }
0x61: {  	_ =	shalt  }
0x62: {  	_ =	shalt  }
0x63: {  	_ =	shalt  }
0x64: {  	_ =	shalt  }
0x65: {  	_ =	shalt  }
0x66: {  	_ =	shalt  }
0x67: {  	_ =	shalt  }
0x68: {  	_ =	shalt  }
0x69: {  	_ =	shalt  }
0x6a: {  	_ =	shalt  }
0x6b: {  	_ =	shalt  }
0x6c: {  	_ =	shalt  }
0x6d: {  	_ =	shalt  }
0x6e: {  	_ =	shalt  }
0x6f: {  	_ =	shalt  }
0x70: {  	_ =	shalt  }
0x71: {  	_ =	shalt  }
0x72: {  	_ =	shalt  }
0x73: {  	_ =	shalt  }
0x74: {  	_ =	shalt  }
0x75: {  	_ =	shalt  }
0x76: {  	_ =	shalt  }
0x77: {  	_ =	shalt  }
0x78: {  	_ =	shalt  }
0x79: {  	_ =	shalt  }
0x7a: {  	_ =	shalt  }
0x7b: {  	_ =	shalt  }
0x7c: {  	_ =	shalt  }
0x7d: {  	_ =	shalt  }
0x7e: {  	_ =	shalt  }
0x7f: {  	_ =	shalt  }
0x80: {  	_ =	shalt  }
0x81: {  	_ =	shalt  }
0x82: {  	_ =	shalt  }
0x83: {  	_ =	shalt  }
0x84: {  	_ =	shalt  }
0x85: {  	_ =	shalt  }
0x86: {  	_ =	shalt  }
0x87: {  	_ =	shalt  }
.Lfunc_end0:
.L_simem_size_0:
called_computation_lowered:
.L_overlay_start_0:
0x88: {  	s2 =	sld [smem:$0x3FD9]  }
0x89: {  	s3 =	sld [smem:$0x3FFE];
	_ =	sdelay $0x1  }
0x8a: {  	s1 =	srdreg.scid  }
0x8b: {  	s0 =	sand.u32 $0x1, s1  }
0x8c: {  	s17 =	sshll.u32 s0, $0xA;
	s2 =	sadd.s32 s3, s2  }
0x8d: {  	s2 =	sadd.s32 s2, s17  }
0x8e: {  	[smem:$0x3FBC] =	sst s2  }
0x8f: {  	_ = 	snop  }
0x90: {  	s2 =	sld [smem:$0x3FC9];
	(tm) =	ssettm $0x1  }
0x91: {  	s18 =	sld [smem:$0x3FFB];
	_ =	sdelay $0x3  }
0x92: {  	_ =	strace s18  }
0x93: {  	s3 =	sld [smem:$0x3FFC];
	_ =	sdelay $0x3  }
0x94: {  	_ =	strace s3  }
0x95: {  	s3 =	sld [smem:$0x3FFD];
	_ =	sdelay $0x3  }
0x96: {  	_ =	strace s3  }
0x97: {  	_ =	strace $0x8FFFFFFF  }
0x98: {  	s19 =	sld [smem:$0x3FDB];
	_ =	sdelay $0x1  }
0x99: {  	s4 =	simm.s32 $_scs_section_size  }
0x9a: {  	s5 =	simm.s32 $_size__tile_overlayer_lowered;
	s6 =	simm.s32 $_tile_overlayer_lowered  }
0x9b: {  	s22 =	simm.s32 $0x1BFF;
	s21 =	sshll.u32 s6, $0x1;
	s3 =	sadd.s32 s4, s19  }
0x9c: {  	s7 =	simm.s32 $0x0;
	s20 =	sshll.u32 s5, $0x1;
	s5 =	sadd.s32 s21, s3  }
0x9d: {  	[timem:s7], [sflag:s22] =	dma.local [hbm:s5], s20  }
0x9e: {  	_ =	swait.ge [sflag:s22], s20  }
0x9f: {  	s4 =	ssub.s32 $0x0, s20;
	[sflag:s22] =	ssyncset.done $0x0  }
0xa0: {  	[sflag:s22] =	ssyncadd.s32 s4;
	_ =	sdelay $0x1  }
0xa1: {  	s23 =	simm.s32 $0x1B8B  }
0xa2: {  	_ =	swait.ge [sflag:s23], $0x1  }
0xa3: {  	[sflag:s23] =	ssyncset.done $0x0  }
0xa4: {  	s25 =	simm.s32 $0x1B8E;
	s24 =	sld [smem:$0x3FFE];
	[sflag:s23] =	ssyncadd.s32 $0xFFFFFFFF  }
0xa5: {  	s26 =	simm.s32 $execute0_lowered;
	[smem:$0x3FD2] =	sst s25  }
0xa6: {  	s5 =	sshll.u32 s26, $0x1;
	_ =	strace $0x80000046;
	[dreg:$0x1] =	wrdreg $0xFFFFFFFF  }
0xa7: {  	s28 =	simm.s32 $_size_execute0_lowered;
	s3 =	sadd.s32 s3, s5;
	[dreg:$0x0] =	wrdreg $0x0  }
0xa8: {  	s5 =	sshll.u32 s28, $0x1;
	[dreg:$0x2] =	wrdreg s3  }
0xa9: {  	[dreg:$0x3] =	wrdreg s5  }
0xaa: {  	[dreg:$0x4] =	wrdreg $0xC0  }
0xab: {  	_ =	task [dreg:s7], $0x5FFFF  }
0xac: {  	[dreg:$0x1] =	wrdreg $0xFFFFFFFF  }
0xad: {  	[dreg:$0x0] =	wrdreg $0x60  }
0xae: {  	[dreg:$0x2] =	wrdreg s2  }
0xaf: {  	[dreg:$0x3] =	wrdreg s24  }
0xb0: {  	[dreg:$0x4] =	wrdreg $0x9  }
0xb1: {  	_ =	task.clear_ibuf [dreg:s7], $0x5FFFF;
	_ =	strace $0x90000046  }
0xb2: {  	s29 =	simm.s32 $0x9;
	_ =	strace $0x80000048  }
0xb3: {  	_ =	swait.ge [sflag:s29], $0x1  }
0xb4: {  	[sflag:s29] =	ssyncadd.s32 $0xFFFFFFFF  }
0xb5: {  	_ =	strace $0x90000048  }
0xb6: {  	_ =	sfence  }
0xb7: {  	s30 =	sld [smem:$0x0];
	_ =	sdelay $0x2  }
0xb8: {  	s31 =	sshll.u32 s1, $0xD;
	s1 =	sshrl.u32 s1, $0x2  }
0xb9: {  	s3 =	sand.u32 $0x4000, s31;
	s1 =	sadd.s32 s1, s30  }
0xba: {  	s0 =	sor.u32 s3, s0;
	s1 =	sshll.u32 s1, $0x11  }
0xbb: {  	s0 =	sor.u32 s1, s0  }
0xbc: {  	s0 =	sadd.s32 $0x8F2B, s0  }
0xbd: {  	[sflag:s0] =	ssyncadd.remote.s32 $0x1  }
0xbe: {  	_ =	sfence.sel $0xFFFF  }
0xbf: {  	[dreg:$0x0] =	wrdreg $0xFFFFFFFF;
	(pc) =	sbr.abs _section_cstart, $3  }
0xc0: {  	[dreg:$0x1] =	wrdreg $0xFFFFFFFF  }
0xc1: {  	_ =	task.clear_ibuf [dreg:s7], $0x2FFFF;
	_ =	strace $0x9FFFFFFF  }
0xc2: {  	(tm) =	ssettm $0x7FFFFFFF  }
0xc3: {  	_ =	shalt  }
tec
execute0_lowered:
.L_overlay_start_1:
0x0: {  	(tag) =	ssettag $0x1  }
0x1: {  	s1 =	srdreg.scid;
	s0 =	stileid.u32  }
0x2: {  	s2 =	rddreg [dreg:$0x0];
	s6 =	sand.u32 $0x1, s1;
	s30 =	sshll.u32 s0, $0x1  }
0x3: {  	s9 =	rddreg [dreg:$0x1];
	s7 =	sor.u32 s6, s30  }
0x4: {  	s3 =	simm.s32 $0x0;
	s1 =	rddreg [dreg:$0x2];
	s4 =	smul.u32 $0x4B, s7  }
0x5: {  	s8 =	simm.s32 $0x1;
	[smem:$0x7FF] =	sst s3  }
0x6: {  	_ =	strace $0x80000047;
	s11 =	ssub.s32 $0x2, s6;
	s4 =	sadd.s32 s4, s9  }
0x7: {  	s6 =	simm.s32 $0x258;
	s5 =	sadd.s32 $0xE00, s4;
	s4 =	simm.s32 $0x2  }
0x8: {  	[tilespmem:s3], [sflag:$0x2] =	stream.linear.gather [hbm4b:s5+s3], $0x258, $0x38;
	[tilespmem:$0x12E80] =	vst v63  }
0x9: {  	s10 =	smul.u32 $0x2580, s7;
	s12 =	sshrl.u32 s11, $0x1;
	_ =	swait.ge [sflag:s4], $0x258  }
0xa: {  	s7 =	simm.s32 $0x280;
	s31 =	ssub.s32 s11, s12;
	[sflag:s4] =	ssyncset.done $0x0  }
0xb: {  	s9 =	sadd.s32 s10, s9;
	s10 =	smax.u32 s31, $0x1;
	[sflag:s4] =	ssyncadd.s32 $0xFFFFFDA8  }
0xc: {  	[tilespmem:s7], [sflag:$0x1] =	stream.indirect.gather [hbm4b:s2+s6], $0x80, s3, s6, $0xb8;
	[tilespmem:$0x12E80] =	vst v63  }
0xd: {  	p0 =	sne.s32 s10, $0x1;
	_ =	swait.ge [sflag:s8], $0x12C00  }
.Ltmp0:
0xe: {  	[sflag:s8] =	ssyncset.done $0x0;
	(pc) =	sbr.rel @!p0 .LBB2_2-.Ltmp0, $4  }
0xf: {  	s9 =	sadd.s32 $0x1800, s9;
	[sflag:s8] =	ssyncadd.s32 $0xFFFED400  }
0x10: {  	[hbm4b:s9+s3] =	stream.linear.scatter [tilespmem:s7], [sflag:$0x2], $0x12C00, $0x38;
	[tilespmem:$0x12E80] =	vst v63  }
0x11: {  	_ =	swait.ge [sflag:s4], $0x12C00  }
0x12: {  	s10 =	sadd.s32 $0xFFFFFFFF, s10;
	[sflag:s4] =	ssyncset.done $0x0  }
.LBB2_1:
0x13: {  	p0 =	sne.s32 s10, $0x1;
	s10 =	sadd.s32 $0xFFFFFFFF, s10;
	[sflag:s4] =	ssyncadd.s32 $0xFFFED400  }
0x14: {  	[tilespmem:s3], [sflag:$0x2] =	stream.linear.gather [hbm4b:s5+s3], $0x258, $0x38;
	[tilespmem:$0x12E80] =	vst v63  }
0x15: {  	_ =	swait.ge [sflag:s4], $0x258  }
0x16: {  	[sflag:s4] =	ssyncset.done $0x0  }
0x17: {  	[sflag:s4] =	ssyncadd.s32 $0xFFFFFDA8  }
0x18: {  	[tilespmem:s7], [sflag:$0x1] =	stream.indirect.gather [hbm4b:s2+s6], $0x80, s3, s6, $0xb8;
	[tilespmem:$0x12E80] =	vst v63  }
0x19: {  	_ =	swait.ge [sflag:s8], $0x12C00  }
.Ltmp1:
0x1a: {  	[sflag:s8] =	ssyncset.done $0x0;
	(pc) =	sbr.rel @p0 .LBB2_1-.Ltmp1, $4  }
0x1b: {  	[sflag:s8] =	ssyncadd.s32 $0xFFFED400  }
0x1c: {  	[hbm4b:s9+s3] =	stream.linear.scatter [tilespmem:s7], [sflag:$0x2], $0x12C00, $0x38;
	[tilespmem:$0x12E80] =	vst v63  }
0x1d: {  	_ =	swait.ge [sflag:s4], $0x12C00  }
0x1e: {  	[sflag:s4] =	ssyncset.done $0x0  }
.LBB2_2:
0x1f: {  	[sflag:s4] =	ssyncadd.s32 $0xFFFED400  }
0x20: {  	_ =	sfence.sel $0x180000  }
0x21: {  	[bflag:$0x0] =	sbarrier.arrive $0xFFFF  }
0x22: {  	p0 =	sne.s32 s0, $0x0;
	_ =	strace $0x90000047  }
0x23: {  	s0 =	sadd.s32 @!p0 $0x100000, s1;
	[bflag:$0x2] =	sbarrier.arrive $0xFFFF  }
0x24: {  	[sflag:s0] =	ssyncadd.tile.s32 @!p0 $0x1;
	_ =	shalt  }
.Lfunc_end2:
_tile_overlayer_lowered:
.L_overlay_start_2:
0x25: {  	(tag) =	ssettag $0x2  }
0x26: {  	s0 =	rddreg [dreg:$0x0];
	s2 =	stileid.u32  }
0x27: {  	s1 =	rddreg [dreg:$0x1];
	p0 =	sne.s32 s2, $0x0  }
0x28: {  	s3 =	rddreg [dreg:$0x2];
	[bflag:$0x3] =	sbarrier.arrive $0xFFFF;
	s2 =	simm.s32 @!p0 $0x1C02  }
0x29: {  	[timem:s3], [sflag:s2] =	dma.local @!p0 [hbm:s0], s1  }
0x2a: {  	s0 =	simm.s32 @!p0 $0x2  }
0x2b: {  	_ =	swait.ge @!p0 [sflag:s0], s1  }
0x2c: {  	s1 =	ssub.s32 @!p0 $0x0, s1;
	[sflag:s0] =	ssyncset.done @!p0 $0x0  }
0x2d: {  	[sflag:s0] =	ssyncadd.s32 @!p0 s1  }
0x2e: {  	[bflag:$0x3] =	sbarrier.arrive $0xFFFF  }
0x2f: {  	_ =	shalt  }

</sc_bundles>
